<compile_context>
chip_gen: v7x
topology: tpu7x:2x2x1
jax: 0.10.2.dev20260603
libtpu: 0.0.44.dev20260713+nightly
codegen_flags: <defaults>
</compile_context>

<pallas_src>
import functools

import jax
import jax.numpy as jnp
from jax import lax
from jax.experimental import pallas as pl
from jax.experimental.pallas import tpu as pltpu
from jax.experimental.pallas import tpu_sc as plsc

N_NODES = 10000
N_EDGES = 320000
FEAT = 128
DIM_RBF = 16

_NSLAB = 2
_NE = N_EDGES // _NSLAB


_TE = 3200


def _msg_body(rbft_ref, m_ref, wt_ref, out_ref):
    e = lax.dot_general(rbft_ref[...], wt_ref[...], (((0,), (0,)), ((), ())),
                        preferred_element_type=jnp.float32)
    out_ref[...] = e * m_ref[...]


def _edge_messages(m, rbf_t, w_rbf_t, e0):
    b0 = e0 // _TE
    grid = (_NE // _TE,)
    return pl.pallas_call(
        _msg_body,
        grid=grid,
        in_specs=[
            pl.BlockSpec((DIM_RBF, _TE), lambda i: (0, i + b0)),
            pl.BlockSpec((_TE, FEAT), lambda i: (i + b0, 0)),
            pl.BlockSpec((DIM_RBF, FEAT), lambda i: (0, 0)),
        ],
        out_specs=pl.BlockSpec((_TE, FEAT), lambda i: (i, 0)),
        out_shape=jax.ShapeDtypeStruct((_NE, FEAT), jnp.float32),
    )(rbf_t, m, w_rbf_t)



_NC = 2
_NS = 16
_NW = _NC * _NS
_EPT = _NE // _NW
_CH = 128
_NCHF = _EPT // _CH
_TAIL = _EPT - _NCHF * _CH
_NPAD = 10240
_RPT = _NPAD // _NS
_ZR = 128


def _sc_scatter(msg, dst_slab, prev):
    mesh = plsc.VectorSubcoreMesh(core_axis_name="c", subcore_axis_name="s")

    scratch = [
        pltpu.VMEM((2, _CH), jnp.int32),
        pltpu.VMEM((2, _CH, FEAT), jnp.float32),
        pltpu.VMEM_SHARED((_NPAD, FEAT), jnp.float32),
        pltpu.SemaphoreType.DMA,
        pltpu.SemaphoreType.DMA,
        pltpu.SemaphoreType.DMA,
        pltpu.SemaphoreType.DMA,
    ]
    if _TAIL:
        scratch += [pltpu.VMEM((1, _TAIL), jnp.int32),
                    pltpu.VMEM((_TAIL, FEAT), jnp.float32)]

    @functools.partial(
        pl.kernel,
        out_type=(jax.ShapeDtypeStruct((_NPAD, FEAT), jnp.float32),
                  jax.ShapeDtypeStruct((_NPAD, FEAT), jnp.float32)),
        mesh=mesh,
        scratch_types=scratch,
    )
    def scatter_kernel(msg_hbm, dst_hbm, prev0_hbm, prev1_hbm,
                       out0_hbm, out1_hbm, idx_v, msg_v,
                       acc_sh, sem0, sem1, ssem0, ssem1, *tail_bufs):
        c = lax.axis_index("c")
        s = lax.axis_index("s")
        tid = s * _NC + c
        mbase = tid * _EPT
        dbase = mbase
        sems = (sem0, sem1)
        r0 = s * _RPT

        @pl.when(c == 0)
        def _():
            pltpu.sync_copy(prev0_hbm.at[pl.ds(r0, _RPT)],
                            acc_sh.at[pl.ds(r0, _RPT)])

        @pl.when(c == 1)
        def _():
            pltpu.sync_copy(prev1_hbm.at[pl.ds(r0, _RPT)],
                            acc_sh.at[pl.ds(r0, _RPT)])

        plsc.subcore_barrier()

        ssems = (ssem0, ssem1)

        def start_in(j, b):
            pltpu.async_copy(dst_hbm.at[pl.ds(dbase + j * _CH, _CH)],
                             idx_v.at[b], sems[b])
            pltpu.async_copy(msg_hbm.at[pl.ds(mbase + j * _CH, _CH)],
                             msg_v.at[b], sems[b])

        def wait_in(j, b):
            pltpu.make_async_copy(dst_hbm.at[pl.ds(dbase + j * _CH, _CH)],
                                  idx_v.at[b], sems[b]).wait()
            pltpu.make_async_copy(msg_hbm.at[pl.ds(mbase + j * _CH, _CH)],
                                  msg_v.at[b], sems[b]).wait()

        def sc_start(b):
            pltpu.async_copy(msg_v.at[b], acc_sh.at[idx_v.at[b]], ssems[b],
                             add=True)

        def sc_wait(b):
            pltpu.make_async_copy(msg_v.at[b], acc_sh.at[idx_v.at[b]],
                                  ssems[b]).wait()

        start_in(0, 0)
        if _NCHF > 1:
            start_in(1, 1)
        wait_in(0, 0)
        sc_start(0)

        def step(j, b):
            wait_in(j, b)
            sc_start(b)
            sc_wait(1 - b)

            @pl.when(j + 1 < _NCHF)
            def _():
                start_in(j + 1, 1 - b)

        def pair(i, carry):
            step(2 * i + 1, 1)
            step(2 * i + 2, 0)
            return carry

        lax.fori_loop(0, (_NCHF - 1) // 2, pair, 0)
        if _NCHF % 2 == 0:
            step(_NCHF - 1, 1)
            sc_wait(1)
        else:
            sc_wait((_NCHF - 1) & 1)

        if _TAIL:
            idx_t, msg_t = tail_bufs
            toff_d = dbase + _NCHF * _CH
            toff_m = mbase + _NCHF * _CH
            pltpu.sync_copy(dst_hbm.at[pl.ds(toff_d, _TAIL)], idx_t.at[0])
            pltpu.sync_copy(msg_hbm.at[pl.ds(toff_m, _TAIL)], msg_t)
            pltpu.sync_copy(msg_t, acc_sh.at[idx_t.at[0]], add=True)

        plsc.subcore_barrier()

        @pl.when(c == 0)
        def _():
            pltpu.sync_copy(acc_sh.at[pl.ds(r0, _RPT)],
                            out0_hbm.at[pl.ds(r0, _RPT)])

        @pl.when(c == 1)
        def _():
            pltpu.sync_copy(acc_sh.at[pl.ds(r0, _RPT)],
                            out1_hbm.at[pl.ds(r0, _RPT)])

    return scatter_kernel(msg, dst_slab, prev[0], prev[1])



_TN = 1024


def _silu(x):
    return x * jax.nn.sigmoid(x)


def _mlp_body(*refs):
    parts = refs[:-8]
    w1, b1, w2, b2, w3, b3, wo, out_ref = refs[-8:]
    x = parts[0][...]
    for p in parts[1:]:
        x = x + p[...]
    x = _silu(jnp.dot(x, w1[...], preferred_element_type=jnp.float32) + b1[...])
    x = _silu(jnp.dot(x, w2[...], preferred_element_type=jnp.float32) + b2[...])
    x = _silu(jnp.dot(x, w3[...], preferred_element_type=jnp.float32) + b3[...])
    out_ref[...] = lax.dot_general(wo[...], x, (((1,), (1,)), ((), ())),
                                   preferred_element_type=jnp.float32)


def _mlp(parts, w1t, b1, w2t, b2, w3t, b3, wot):
    grid = (_NPAD // _TN,)
    full = lambda shape: pl.BlockSpec(shape, lambda i: tuple(0 for _ in shape))
    part_spec = pl.BlockSpec((_TN, FEAT), lambda i: (i, 0))
    return pl.pallas_call(
        _mlp_body,
        grid=grid,
        in_specs=[part_spec] * len(parts) + [
            full((FEAT, FEAT)), full((1, FEAT)),
            full((FEAT, FEAT)), full((1, FEAT)),
            full((FEAT, FEAT)), full((1, FEAT)),
            full((1, FEAT)),
        ],
        out_specs=pl.BlockSpec((1, _TN), lambda i: (0, i)),
        out_shape=jax.ShapeDtypeStruct((1, _NPAD), jnp.float32),
    )(*parts, w1t, b1, w2t, b2, w3t, b3, wot)




def kernel(m_ji, rbf_ji, atom_edge_index, W_rbf, W1, b1, W2, b2, W3, b3, W_out):
    dst = atom_edge_index[1].astype(jnp.int32)
    rbf_t = rbf_ji.T
    w_rbf_t = W_rbf.T
    zero_part = jnp.zeros((_NPAD, FEAT), jnp.float32)
    parts = (zero_part, zero_part)
    for sl in range(_NSLAB):
        msg = _edge_messages(m_ji, rbf_t, w_rbf_t, sl * _NE)
        dst_slab = lax.slice_in_dim(dst, sl * _NE, (sl + 1) * _NE)
        parts = _sc_scatter(msg, dst_slab, parts)
    out_t = _mlp(list(parts),
                 W1.T, b1[None, :], W2.T, b2[None, :], W3.T, b3[None, :],
                 W_out)
    return out_t[:, :N_NODES].T

# --- scband reference (transcript-rebuilt; emitter-appended) ---
"""Pipeline reference for scband-output-layer-31791347925878 (READ-ONLY COPY).

The authoritative reference and input builder live on the scoring server;
editing this copy changes nothing except your own understanding.
"""

import jax, jax.numpy as jnp
import numpy as np

N_NODES = 10000
N_EDGES = 320000
FEAT = 128
DIM_RBF = 16
N_OUT = 1


def setup_inputs(seed: int = 0) -> dict:
    key = jax.random.key(seed)
    ks = jax.random.split(key, 12)
    inp = {}
    inp["m_ji"] = jax.random.normal(ks[0], (N_EDGES, FEAT), dtype=jnp.float32)
    inp["rbf_ji"] = jax.random.normal(ks[1], (N_EDGES, DIM_RBF), dtype=jnp.float32)
    inp["atom_edge_index"] = jax.random.randint(ks[2], (2, N_EDGES), 0, N_NODES)
    # learned params (PyTorch Linear convention: weight [out, in])
    inp["W_rbf"] = jax.random.normal(ks[3], (FEAT, DIM_RBF), dtype=jnp.float32) * (1.0 / np.sqrt(DIM_RBF))
    inp["W1"] = jax.random.normal(ks[4], (FEAT, FEAT), dtype=jnp.float32) * (1.0 / np.sqrt(FEAT))
    inp["b1"] = jax.random.normal(ks[5], (FEAT,), dtype=jnp.float32) * 0.01
    inp["W2"] = jax.random.normal(ks[6], (FEAT, FEAT), dtype=jnp.float32) * (1.0 / np.sqrt(FEAT))
    inp["b2"] = jax.random.normal(ks[7], (FEAT,), dtype=jnp.float32) * 0.01
    inp["W3"] = jax.random.normal(ks[8], (FEAT, FEAT), dtype=jnp.float32) * (1.0 / np.sqrt(FEAT))
    inp["b3"] = jax.random.normal(ks[9], (FEAT,), dtype=jnp.float32) * 0.01
    inp["W_out"] = jax.random.normal(ks[10], (N_OUT, FEAT), dtype=jnp.float32) * (1.0 / np.sqrt(FEAT))
    return inp


def reference(m_ji, rbf_ji, atom_edge_index, W_rbf, W1, b1, W2, b2, W3, b3, W_out):
    # lin_rbf (no bias)
    e_ji = rbf_ji @ W_rbf.T                     # [E, F]
    message_ji = e_ji * m_ji                    # [E, F]
    # scatter-add edge messages to destination atoms (index = edge_index[1])
    atomistic_i = jax.ops.segment_sum(message_ji, atom_edge_index[1], num_segments=N_NODES)  # [N, F]
    # num_lin = 3 dense layers with silu activation
    atomistic_i = jax.nn.silu(atomistic_i @ W1.T + b1)
    atomistic_i = jax.nn.silu(atomistic_i @ W2.T + b2)
    atomistic_i = jax.nn.silu(atomistic_i @ W3.T + b3)
    out = atomistic_i @ W_out.T                 # [N, n_output]
    return out

if __name__ == "__main__":
    import jax
    _d = setup_inputs()
    print(jax.jit(kernel)(*tuple(_d.values())))

</pallas_src>

<mosaic_0001>
#map = affine_map<(d0, d1) -> (0, 0)>
#map1 = affine_map<(d0, d1) -> (0)>
module attributes {stable_mosaic.version = 14 : i64} {
  func.func @scatter_kernel(%arg0: i32, %arg1: i32, %arg2: memref<160000x128xf32, #tpu.memory_space<hbm>>, %arg3: memref<160000xi32, #tpu.memory_space<hbm>>, %arg4: memref<10240x128xf32, #tpu.memory_space<hbm>>, %arg5: memref<10240x128xf32, #tpu.memory_space<hbm>>, %arg6: memref<10240x128xf32, #tpu.memory_space<hbm>>, %arg7: memref<10240x128xf32, #tpu.memory_space<hbm>>, %arg8: memref<2x128xi32, #tpu.memory_space<vmem>>, %arg9: memref<2x128x128xf32, #tpu.memory_space<vmem>>, %arg10: memref<10240x128xf32, #tpu.memory_space<vmem_shared>>, %arg11: memref<!tpu.dma_semaphore, #tpu.memory_space<semaphore_mem>>, %arg12: memref<!tpu.dma_semaphore, #tpu.memory_space<semaphore_mem>>, %arg13: memref<!tpu.dma_semaphore, #tpu.memory_space<semaphore_mem>>, %arg14: memref<!tpu.dma_semaphore, #tpu.memory_space<semaphore_mem>>, %arg15: memref<1x8xi32, #tpu.memory_space<vmem>>, %arg16: memref<8x128xf32, #tpu.memory_space<vmem>>) attributes {dimension_semantics = [#tpu.dimension_semantics<core_parallel>, #tpu.dimension_semantics<subcore_parallel>], iteration_bounds = array<i64: 2, 16>, scalar_prefetch = 0 : i64, scratch_operands = 9 : i64, tpu.core_type = #tpu.core_type<sc_vector_subcore>, window_params = [{transform_indices = #map}, {transform_indices = #map1}, {transform_indices = #map}, {transform_indices = #map}, {transform_indices = #map}, {transform_indices = #map}]} {
    %mul3A = arith.constant 2 : i32
    %mul3A_0 = arith.muli %arg1, %mul3A : i32
    %add3A = arith.addi %mul3A_0, %arg0 : i32
    %mul3A_1 = arith.constant 5000 : i32
    %mul3A_2 = arith.muli %add3A, %mul3A_1 : i32
    %mul3A_3 = arith.constant 640 : i32
    %mul3A_4 = arith.muli %arg1, %mul3A_3 : i32
    %eq3A = arith.constant 0 : i32
    %eq3A_5 = arith.cmpi eq, %arg0, %eq3A : i32
    %convert_element_type3A = arith.extui %eq3A_5 : i1 to i32
    %cond3A = arith.constant 0 : i32
    %cond3A_6 = arith.cmpi ne, %convert_element_type3A, %cond3A : i32
    scf.if %cond3A_6 {
      "tpu.region"() ({
        %run_scoped3A_133 = tpu.sem_alloc : memref<!tpu.dma_semaphore, #tpu.memory_space<semaphore_mem>>
        %dma_start3A_134 = arith.constant 0 : i32
        %dma_start3A_135 = tpu.memref_slice %arg10[%mul3A_4, %dma_start3A_134] : memref<10240x128xf32, #tpu.memory_space<vmem_shared>> -> memref<640x128xf32, #tpu.memory_space<vmem_shared>>
        %dma_start3A_136 = arith.constant 0 : i32
        %dma_start3A_137 = tpu.memref_slice %arg4[%mul3A_4, %dma_start3A_136] : memref<10240x128xf32, #tpu.memory_space<hbm>> -> memref<640x128xf32, #tpu.memory_space<hbm>>
        tpu.enqueue_dma source(%dma_start3A_137 : memref<640x128xf32, #tpu.memory_space<hbm>>) target(%dma_start3A_135 : memref<640x128xf32, #tpu.memory_space<vmem_shared>>) target_semaphore(%run_scoped3A_133 : memref<!tpu.dma_semaphore, #tpu.memory_space<semaphore_mem>>)
        %dma_wait3A_138 = arith.constant 0 : i32
        %dma_wait3A_139 = tpu.memref_slice %arg10[%mul3A_4, %dma_wait3A_138] : memref<10240x128xf32, #tpu.memory_space<vmem_shared>> -> memref<640x128xf32, #tpu.memory_space<vmem_shared>>
        %dma_wait3A_140 = arith.constant 0 : i32
        %dma_wait3A_141 = tpu.memref_slice %arg4[%mul3A_4, %dma_wait3A_140] : memref<10240x128xf32, #tpu.memory_space<hbm>> -> memref<640x128xf32, #tpu.memory_space<hbm>>
        tpu.wait_dma2 semaphore(%run_scoped3A_133 : memref<!tpu.dma_semaphore, #tpu.memory_space<semaphore_mem>>) src(%dma_wait3A_141 : memref<640x128xf32, #tpu.memory_space<hbm>>) dst(%dma_wait3A_139 : memref<640x128xf32, #tpu.memory_space<vmem_shared>>)
        tpu.yield
      }) : () -> ()
    } else {
    }
    %eq3A_7 = arith.constant 1 : i32
    %eq3A_8 = arith.cmpi eq, %arg0, %eq3A_7 : i32
    %convert_element_type3A_9 = arith.extui %eq3A_8 : i1 to i32
    %cond3A_10 = arith.constant 0 : i32
    %cond3A_11 = arith.cmpi ne, %convert_element_type3A_9, %cond3A_10 : i32
    scf.if %cond3A_11 {
      "tpu.region"() ({
        %run_scoped3A_133 = tpu.sem_alloc : memref<!tpu.dma_semaphore, #tpu.memory_space<semaphore_mem>>
        %dma_start3A_134 = arith.constant 0 : i32
        %dma_start3A_135 = tpu.memref_slice %arg10[%mul3A_4, %dma_start3A_134] : memref<10240x128xf32, #tpu.memory_space<vmem_shared>> -> memref<640x128xf32, #tpu.memory_space<vmem_shared>>
        %dma_start3A_136 = arith.constant 0 : i32
        %dma_start3A_137 = tpu.memref_slice %arg5[%mul3A_4, %dma_start3A_136] : memref<10240x128xf32, #tpu.memory_space<hbm>> -> memref<640x128xf32, #tpu.memory_space<hbm>>
        tpu.enqueue_dma source(%dma_start3A_137 : memref<640x128xf32, #tpu.memory_space<hbm>>) target(%dma_start3A_135 : memref<640x128xf32, #tpu.memory_space<vmem_shared>>) target_semaphore(%run_scoped3A_133 : memref<!tpu.dma_semaphore, #tpu.memory_space<semaphore_mem>>)
        %dma_wait3A_138 = arith.constant 0 : i32
        %dma_wait3A_139 = tpu.memref_slice %arg10[%mul3A_4, %dma_wait3A_138] : memref<10240x128xf32, #tpu.memory_space<vmem_shared>> -> memref<640x128xf32, #tpu.memory_space<vmem_shared>>
        %dma_wait3A_140 = arith.constant 0 : i32
        %dma_wait3A_141 = tpu.memref_slice %arg5[%mul3A_4, %dma_wait3A_140] : memref<10240x128xf32, #tpu.memory_space<hbm>> -> memref<640x128xf32, #tpu.memory_space<hbm>>
        tpu.wait_dma2 semaphore(%run_scoped3A_133 : memref<!tpu.dma_semaphore, #tpu.memory_space<semaphore_mem>>) src(%dma_wait3A_141 : memref<640x128xf32, #tpu.memory_space<hbm>>) dst(%dma_wait3A_139 : memref<640x128xf32, #tpu.memory_space<vmem_shared>>)
        tpu.yield
      }) : () -> ()
    } else {
    }
    %barrier3A = arith.constant 0 : index
    tpu.barrier barrier_id(%barrier3A)
    %add3A_12 = arith.constant 0 : i32
    %add3A_13 = arith.addi %mul3A_2, %add3A_12 : i32
    %dma_start3A = arith.constant 0 : i32
    %dma_start3A_14 = arith.constant 0 : i32
    %dma_start3A_15 = tpu.memref_slice %arg8[%dma_start3A, %dma_start3A_14] : memref<2x128xi32, #tpu.memory_space<vmem>> -> memref<1x128xi32, #tpu.memory_space<vmem>>
    %dma_start3A_16 = tpu.memref_squeeze %dma_start3A_15 : memref<1x128xi32, #tpu.memory_space<vmem>> -> memref<128xi32, #tpu.memory_space<vmem>>
    %dma_start3A_17 = tpu.memref_slice %arg3[%add3A_13] : memref<160000xi32, #tpu.memory_space<hbm>> -> memref<128xi32, #tpu.memory_space<hbm>>
    %dma_start3A_18 = arith.constant 0 : i32
    %dma_start3A_19 = tpu.memref_slice %arg8[%dma_start3A, %dma_start3A_18] : memref<2x128xi32, #tpu.memory_space<vmem>> -> memref<1x128xi32, #tpu.memory_space<vmem>>
    %dma_start3A_20 = tpu.memref_squeeze %dma_start3A_19 : memref<1x128xi32, #tpu.memory_space<vmem>> -> memref<128xi32, #tpu.memory_space<vmem>>
    %dma_start3A_21 = tpu.memref_slice %arg3[%add3A_13] : memref<160000xi32, #tpu.memory_space<hbm>> -> memref<128xi32, #tpu.memory_space<hbm>>
    tpu.enqueue_dma source(%dma_start3A_21 : memref<128xi32, #tpu.memory_space<hbm>>) target(%dma_start3A_20 : memref<128xi32, #tpu.memory_space<vmem>>) target_semaphore(%arg11 : memref<!tpu.dma_semaphore, #tpu.memory_space<semaphore_mem>>)
    %add3A_22 = arith.constant 0 : i32
    %add3A_23 = arith.addi %mul3A_2, %add3A_22 : i32
    %dma_start3A_24 = arith.constant 0 : i32
    %dma_start3A_25 = arith.constant 0 : i32
    %dma_start3A_26 = arith.constant 0 : i32
    %dma_start3A_27 = tpu.memref_slice %arg9[%dma_start3A_24, %dma_start3A_25, %dma_start3A_26] : memref<2x128x128xf32, #tpu.memory_space<vmem>> -> memref<1x128x128xf32, #tpu.memory_space<vmem>>
    %dma_start3A_28 = tpu.memref_squeeze %dma_start3A_27 : memref<1x128x128xf32, #tpu.memory_space<vmem>> -> memref<128x128xf32, #tpu.memory_space<vmem>>
    %dma_start3A_29 = arith.constant 0 : i32
    %dma_start3A_30 = tpu.memref_slice %arg2[%add3A_23, %dma_start3A_29] : memref<160000x128xf32, #tpu.memory_space<hbm>> -> memref<128x128xf32, #tpu.memory_space<hbm>>
    %dma_start3A_31 = arith.constant 0 : i32
    %dma_start3A_32 = arith.constant 0 : i32
    %dma_start3A_33 = tpu.memref_slice %arg9[%dma_start3A_24, %dma_start3A_31, %dma_start3A_32] : memref<2x128x128xf32, #tpu.memory_space<vmem>> -> memref<1x128x128xf32, #tpu.memory_space<vmem>>
    %dma_start3A_34 = tpu.memref_squeeze %dma_start3A_33 : memref<1x128x128xf32, #tpu.memory_space<vmem>> -> memref<128x128xf32, #tpu.memory_space<vmem>>
    %dma_start3A_35 = arith.constant 0 : i32
    %dma_start3A_36 = tpu.memref_slice %arg2[%add3A_23, %dma_start3A_35] : memref<160000x128xf32, #tpu.memory_space<hbm>> -> memref<128x128xf32, #tpu.memory_space<hbm>>
    tpu.enqueue_dma source(%dma_start3A_36 : memref<128x128xf32, #tpu.memory_space<hbm>>) target(%dma_start3A_34 : memref<128x128xf32, #tpu.memory_space<vmem>>) target_semaphore(%arg11 : memref<!tpu.dma_semaphore, #tpu.memory_space<semaphore_mem>>)
    %add3A_37 = arith.constant 128 : i32
    %add3A_38 = arith.addi %mul3A_2, %add3A_37 : i32
    %dma_start3A_39 = arith.constant 1 : i32
    %dma_start3A_40 = arith.constant 0 : i32
    %dma_start3A_41 = tpu.memref_slice %arg8[%dma_start3A_39, %dma_start3A_40] : memref<2x128xi32, #tpu.memory_space<vmem>> -> memref<1x128xi32, #tpu.memory_space<vmem>>
    %dma_start3A_42 = tpu.memref_squeeze %dma_start3A_41 : memref<1x128xi32, #tpu.memory_space<vmem>> -> memref<128xi32, #tpu.memory_space<vmem>>
    %dma_start3A_43 = tpu.memref_slice %arg3[%add3A_38] : memref<160000xi32, #tpu.memory_space<hbm>> -> memref<128xi32, #tpu.memory_space<hbm>>
    %dma_start3A_44 = arith.constant 0 : i32
    %dma_start3A_45 = tpu.memref_slice %arg8[%dma_start3A_39, %dma_start3A_44] : memref<2x128xi32, #tpu.memory_space<vmem>> -> memref<1x128xi32, #tpu.memory_space<vmem>>
    %dma_start3A_46 = tpu.memref_squeeze %dma_start3A_45 : memref<1x128xi32, #tpu.memory_space<vmem>> -> memref<128xi32, #tpu.memory_space<vmem>>
    %dma_start3A_47 = tpu.memref_slice %arg3[%add3A_38] : memref<160000xi32, #tpu.memory_space<hbm>> -> memref<128xi32, #tpu.memory_space<hbm>>
    tpu.enqueue_dma source(%dma_start3A_47 : memref<128xi32, #tpu.memory_space<hbm>>) target(%dma_start3A_46 : memref<128xi32, #tpu.memory_space<vmem>>) target_semaphore(%arg12 : memref<!tpu.dma_semaphore, #tpu.memory_space<semaphore_mem>>)
    %add3A_48 = arith.constant 128 : i32
    %add3A_49 = arith.addi %mul3A_2, %add3A_48 : i32
    %dma_start3A_50 = arith.constant 1 : i32
    %dma_start3A_51 = arith.constant 0 : i32
    %dma_start3A_52 = arith.constant 0 : i32
    %dma_start3A_53 = tpu.memref_slice %arg9[%dma_start3A_50, %dma_start3A_51, %dma_start3A_52] : memref<2x128x128xf32, #tpu.memory_space<vmem>> -> memref<1x128x128xf32, #tpu.memory_space<vmem>>
    %dma_start3A_54 = tpu.memref_squeeze %dma_start3A_53 : memref<1x128x128xf32, #tpu.memory_space<vmem>> -> memref<128x128xf32, #tpu.memory_space<vmem>>
    %dma_start3A_55 = arith.constant 0 : i32
    %dma_start3A_56 = tpu.memref_slice %arg2[%add3A_49, %dma_start3A_55] : memref<160000x128xf32, #tpu.memory_space<hbm>> -> memref<128x128xf32, #tpu.memory_space<hbm>>
    %dma_start3A_57 = arith.constant 0 : i32
    %dma_start3A_58 = arith.constant 0 : i32
    %dma_start3A_59 = tpu.memref_slice %arg9[%dma_start3A_50, %dma_start3A_57, %dma_start3A_58] : memref<2x128x128xf32, #tpu.memory_space<vmem>> -> memref<1x128x128xf32, #tpu.memory_space<vmem>>
    %dma_start3A_60 = tpu.memref_squeeze %dma_start3A_59 : memref<1x128x128xf32, #tpu.memory_space<vmem>> -> memref<128x128xf32, #tpu.memory_space<vmem>>
    %dma_start3A_61 = arith.constant 0 : i32
    %dma_start3A_62 = tpu.memref_slice %arg2[%add3A_49, %dma_start3A_61] : memref<160000x128xf32, #tpu.memory_space<hbm>> -> memref<128x128xf32, #tpu.memory_space<hbm>>
    tpu.enqueue_dma source(%dma_start3A_62 : memref<128x128xf32, #tpu.memory_space<hbm>>) target(%dma_start3A_60 : memref<128x128xf32, #tpu.memory_space<vmem>>) target_semaphore(%arg12 : memref<!tpu.dma_semaphore, #tpu.memory_space<semaphore_mem>>)
    %add3A_63 = arith.constant 0 : i32
    %add3A_64 = arith.addi %mul3A_2, %add3A_63 : i32
    %dma_wait3A = arith.constant 0 : i32
    %dma_wait3A_65 = arith.constant 0 : i32
    %dma_wait3A_66 = tpu.memref_slice %arg8[%dma_wait3A, %dma_wait3A_65] : memref<2x128xi32, #tpu.memory_space<vmem>> -> memref<1x128xi32, #tpu.memory_space<vmem>>
    %dma_wait3A_67 = tpu.memref_squeeze %dma_wait3A_66 : memref<1x128xi32, #tpu.memory_space<vmem>> -> memref<128xi32, #tpu.memory_space<vmem>>
    %dma_wait3A_68 = tpu.memref_slice %arg3[%add3A_64] : memref<160000xi32, #tpu.memory_space<hbm>> -> memref<128xi32, #tpu.memory_space<hbm>>
    %dma_wait3A_69 = arith.constant 0 : i32
    %dma_wait3A_70 = tpu.memref_slice %arg8[%dma_wait3A, %dma_wait3A_69] : memref<2x128xi32, #tpu.memory_space<vmem>> -> memref<1x128xi32, #tpu.memory_space<vmem>>
    %dma_wait3A_71 = tpu.memref_squeeze %dma_wait3A_70 : memref<1x128xi32, #tpu.memory_space<vmem>> -> memref<128xi32, #tpu.memory_space<vmem>>
    %dma_wait3A_72 = tpu.memref_slice %arg3[%add3A_64] : memref<160000xi32, #tpu.memory_space<hbm>> -> memref<128xi32, #tpu.memory_space<hbm>>
    tpu.wait_dma2 semaphore(%arg11 : memref<!tpu.dma_semaphore, #tpu.memory_space<semaphore_mem>>) src(%dma_wait3A_72 : memref<128xi32, #tpu.memory_space<hbm>>) dst(%dma_wait3A_71 : memref<128xi32, #tpu.memory_space<vmem>>)
    %add3A_73 = arith.constant 0 : i32
    %add3A_74 = arith.addi %mul3A_2, %add3A_73 : i32
    %dma_wait3A_75 = arith.constant 0 : i32
    %dma_wait3A_76 = arith.constant 0 : i32
    %dma_wait3A_77 = arith.constant 0 : i32
    %dma_wait3A_78 = tpu.memref_slice %arg9[%dma_wait3A_75, %dma_wait3A_76, %dma_wait3A_77] : memref<2x128x128xf32, #tpu.memory_space<vmem>> -> memref<1x128x128xf32, #tpu.memory_space<vmem>>
    %dma_wait3A_79 = tpu.memref_squeeze %dma_wait3A_78 : memref<1x128x128xf32, #tpu.memory_space<vmem>> -> memref<128x128xf32, #tpu.memory_space<vmem>>
    %dma_wait3A_80 = arith.constant 0 : i32
    %dma_wait3A_81 = tpu.memref_slice %arg2[%add3A_74, %dma_wait3A_80] : memref<160000x128xf32, #tpu.memory_space<hbm>> -> memref<128x128xf32, #tpu.memory_space<hbm>>
    %dma_wait3A_82 = arith.constant 0 : i32
    %dma_wait3A_83 = arith.constant 0 : i32
    %dma_wait3A_84 = tpu.memref_slice %arg9[%dma_wait3A_75, %dma_wait3A_82, %dma_wait3A_83] : memref<2x128x128xf32, #tpu.memory_space<vmem>> -> memref<1x128x128xf32, #tpu.memory_space<vmem>>
    %dma_wait3A_85 = tpu.memref_squeeze %dma_wait3A_84 : memref<1x128x128xf32, #tpu.memory_space<vmem>> -> memref<128x128xf32, #tpu.memory_space<vmem>>
    %dma_wait3A_86 = arith.constant 0 : i32
    %dma_wait3A_87 = tpu.memref_slice %arg2[%add3A_74, %dma_wait3A_86] : memref<160000x128xf32, #tpu.memory_space<hbm>> -> memref<128x128xf32, #tpu.memory_space<hbm>>
    tpu.wait_dma2 semaphore(%arg11 : memref<!tpu.dma_semaphore, #tpu.memory_space<semaphore_mem>>) src(%dma_wait3A_87 : memref<128x128xf32, #tpu.memory_space<hbm>>) dst(%dma_wait3A_85 : memref<128x128xf32, #tpu.memory_space<vmem>>)
    %dma_start3A_88 = arith.constant 0 : i32
    %dma_start3A_89 = arith.constant 0 : i32
    %dma_start3A_90 = arith.constant 0 : i32
    %dma_start3A_91 = arith.constant 0 : i32
    %dma_start3A_92 = tpu.memref_slice %arg9[%dma_start3A_88, %dma_start3A_90, %dma_start3A_91] : memref<2x128x128xf32, #tpu.memory_space<vmem>> -> memref<1x128x128xf32, #tpu.memory_space<vmem>>
    %dma_start3A_93 = tpu.memref_squeeze %dma_start3A_92 : memref<1x128x128xf32, #tpu.memory_space<vmem>> -> memref<128x128xf32, #tpu.memory_space<vmem>>
    %dma_start3A_94 = arith.constant 0 : i32
    %dma_start3A_95 = tpu.memref_slice %arg8[%dma_start3A_89, %dma_start3A_94] : memref<2x128xi32, #tpu.memory_space<vmem>> -> memref<1x128xi32, #tpu.memory_space<vmem>>
    %dma_start3A_96 = tpu.memref_squeeze %dma_start3A_95 : memref<1x128xi32, #tpu.memory_space<vmem>> -> memref<128xi32, #tpu.memory_space<vmem>>
    %dma_start3A_97 = arith.constant 0 : i32
    %dma_start3A_98 = arith.constant 0 : i32
    %dma_start3A_99 = tpu.memref_slice %arg10[%dma_start3A_97, %dma_start3A_98] : memref<10240x128xf32, #tpu.memory_space<vmem_shared>> -> memref<10240x128xf32, #tpu.memory_space<vmem_shared>>
    tpu.enqueue_indirect_dma source(%dma_start3A_93 : memref<128x128xf32, #tpu.memory_space<vmem>>) target(%dma_start3A_99 : memref<10240x128xf32, #tpu.memory_space<vmem_shared>>) offsets(%dma_start3A_96 : memref<128xi32, #tpu.memory_space<vmem>>) semaphore(%arg13 : memref<!tpu.dma_semaphore, #tpu.memory_space<semaphore_mem>>) {add = true}
    %scan3A = arith.constant 0 : i32
    %scan3A_100 = arith.constant 0 : i32
    %scan3A_101 = arith.constant 19 : i32
    %scan3A_102 = arith.addi %scan3A_100, %scan3A_101 : i32
    %scan3A_103 = arith.constant 1 : i32
    scf.for %scan3A_133 = %scan3A_100 to %scan3A_102 step %scan3A_103  : i32 {
      %mul3A_134 = arith.constant 2 : i32
      %mul3A_135 = arith.muli %mul3A_134, %scan3A_133 : i32
      %add3A_136 = arith.constant 1 : i32
      %add3A_137 = arith.addi %mul3A_135, %add3A_136 : i32
      %mul3A_138 = arith.constant 128 : i32
      %mul3A_139 = arith.muli %add3A_137, %mul3A_138 : i32
      %add3A_140 = arith.addi %mul3A_2, %mul3A_139 : i32
      %dma_wait3A_141 = arith.constant 1 : i32
      %dma_wait3A_142 = arith.constant 0 : i32
      %dma_wait3A_143 = tpu.memref_slice %arg8[%dma_wait3A_141, %dma_wait3A_142] : memref<2x128xi32, #tpu.memory_space<vmem>> -> memref<1x128xi32, #tpu.memory_space<vmem>>
      %dma_wait3A_144 = tpu.memref_squeeze %dma_wait3A_143 : memref<1x128xi32, #tpu.memory_space<vmem>> -> memref<128xi32, #tpu.memory_space<vmem>>
      %dma_wait3A_145 = tpu.memref_slice %arg3[%add3A_140] : memref<160000xi32, #tpu.memory_space<hbm>> -> memref<128xi32, #tpu.memory_space<hbm>>
      %dma_wait3A_146 = arith.constant 0 : i32
      %dma_wait3A_147 = tpu.memref_slice %arg8[%dma_wait3A_141, %dma_wait3A_146] : memref<2x128xi32, #tpu.memory_space<vmem>> -> memref<1x128xi32, #tpu.memory_space<vmem>>
      %dma_wait3A_148 = tpu.memref_squeeze %dma_wait3A_147 : memref<1x128xi32, #tpu.memory_space<vmem>> -> memref<128xi32, #tpu.memory_space<vmem>>
      %dma_wait3A_149 = tpu.memref_slice %arg3[%add3A_140] : memref<160000xi32, #tpu.memory_space<hbm>> -> memref<128xi32, #tpu.memory_space<hbm>>
      tpu.wait_dma2 semaphore(%arg12 : memref<!tpu.dma_semaphore, #tpu.memory_space<semaphore_mem>>) src(%dma_wait3A_149 : memref<128xi32, #tpu.memory_space<hbm>>) dst(%dma_wait3A_148 : memref<128xi32, #tpu.memory_space<vmem>>)
      %mul3A_150 = arith.constant 128 : i32
      %mul3A_151 = arith.muli %add3A_137, %mul3A_150 : i32
      %add3A_152 = arith.addi %mul3A_2, %mul3A_151 : i32
      %dma_wait3A_153 = arith.constant 1 : i32
      %dma_wait3A_154 = arith.constant 0 : i32
      %dma_wait3A_155 = arith.constant 0 : i32
      %dma_wait3A_156 = tpu.memref_slice %arg9[%dma_wait3A_153, %dma_wait3A_154, %dma_wait3A_155] : memref<2x128x128xf32, #tpu.memory_space<vmem>> -> memref<1x128x128xf32, #tpu.memory_space<vmem>>
      %dma_wait3A_157 = tpu.memref_squeeze %dma_wait3A_156 : memref<1x128x128xf32, #tpu.memory_space<vmem>> -> memref<128x128xf32, #tpu.memory_space<vmem>>
      %dma_wait3A_158 = arith.constant 0 : i32
      %dma_wait3A_159 = tpu.memref_slice %arg2[%add3A_152, %dma_wait3A_158] : memref<160000x128xf32, #tpu.memory_space<hbm>> -> memref<128x128xf32, #tpu.memory_space<hbm>>
      %dma_wait3A_160 = arith.constant 0 : i32
      %dma_wait3A_161 = arith.constant 0 : i32
      %dma_wait3A_162 = tpu.memref_slice %arg9[%dma_wait3A_153, %dma_wait3A_160, %dma_wait3A_161] : memref<2x128x128xf32, #tpu.memory_space<vmem>> -> memref<1x128x128xf32, #tpu.memory_space<vmem>>
      %dma_wait3A_163 = tpu.memref_squeeze %dma_wait3A_162 : memref<1x128x128xf32, #tpu.memory_space<vmem>> -> memref<128x128xf32, #tpu.memory_space<vmem>>
      %dma_wait3A_164 = arith.constant 0 : i32
      %dma_wait3A_165 = tpu.memref_slice %arg2[%add3A_152, %dma_wait3A_164] : memref<160000x128xf32, #tpu.memory_space<hbm>> -> memref<128x128xf32, #tpu.memory_space<hbm>>
      tpu.wait_dma2 semaphore(%arg12 : memref<!tpu.dma_semaphore, #tpu.memory_space<semaphore_mem>>) src(%dma_wait3A_165 : memref<128x128xf32, #tpu.memory_space<hbm>>) dst(%dma_wait3A_163 : memref<128x128xf32, #tpu.memory_space<vmem>>)
      %dma_start3A_166 = arith.constant 1 : i32
      %dma_start3A_167 = arith.constant 1 : i32
      %dma_start3A_168 = arith.constant 0 : i32
      %dma_start3A_169 = arith.constant 0 : i32
      %dma_start3A_170 = tpu.memref_slice %arg9[%dma_start3A_166, %dma_start3A_168, %dma_start3A_169] : memref<2x128x128xf32, #tpu.memory_space<vmem>> -> memref<1x128x128xf32, #tpu.memory_space<vmem>>
      %dma_start3A_171 = tpu.memref_squeeze %dma_start3A_170 : memref<1x128x128xf32, #tpu.memory_space<vmem>> -> memref<128x128xf32, #tpu.memory_space<vmem>>
      %dma_start3A_172 = arith.constant 0 : i32
      %dma_start3A_173 = tpu.memref_slice %arg8[%dma_start3A_167, %dma_start3A_172] : memref<2x128xi32, #tpu.memory_space<vmem>> -> memref<1x128xi32, #tpu.memory_space<vmem>>
      %dma_start3A_174 = tpu.memref_squeeze %dma_start3A_173 : memref<1x128xi32, #tpu.memory_space<vmem>> -> memref<128xi32, #tpu.memory_space<vmem>>
      %dma_start3A_175 = arith.constant 0 : i32
      %dma_start3A_176 = arith.constant 0 : i32
      %dma_start3A_177 = tpu.memref_slice %arg10[%dma_start3A_175, %dma_start3A_176] : memref<10240x128xf32, #tpu.memory_space<vmem_shared>> -> memref<10240x128xf32, #tpu.memory_space<vmem_shared>>
      tpu.enqueue_indirect_dma source(%dma_start3A_171 : memref<128x128xf32, #tpu.memory_space<vmem>>) target(%dma_start3A_177 : memref<10240x128xf32, #tpu.memory_space<vmem_shared>>) offsets(%dma_start3A_174 : memref<128xi32, #tpu.memory_space<vmem>>) semaphore(%arg14 : memref<!tpu.dma_semaphore, #tpu.memory_space<semaphore_mem>>) {add = true}
      %dma_wait3A_178 = arith.constant 0 : i32
      %dma_wait3A_179 = arith.constant 0 : i32
      %dma_wait3A_180 = arith.constant 0 : i32
      %dma_wait3A_181 = arith.constant 0 : i32
      %dma_wait3A_182 = tpu.memref_slice %arg9[%dma_wait3A_178, %dma_wait3A_180, %dma_wait3A_181] : memref<2x128x128xf32, #tpu.memory_space<vmem>> -> memref<1x128x128xf32, #tpu.memory_space<vmem>>
      %dma_wait3A_183 = tpu.memref_squeeze %dma_wait3A_182 : memref<1x128x128xf32, #tpu.memory_space<vmem>> -> memref<128x128xf32, #tpu.memory_space<vmem>>
      %dma_wait3A_184 = arith.constant 0 : i32
      %dma_wait3A_185 = tpu.memref_slice %arg8[%dma_wait3A_179, %dma_wait3A_184] : memref<2x128xi32, #tpu.memory_space<vmem>> -> memref<1x128xi32, #tpu.memory_space<vmem>>
      %dma_wait3A_186 = tpu.memref_squeeze %dma_wait3A_185 : memref<1x128xi32, #tpu.memory_space<vmem>> -> memref<128xi32, #tpu.memory_space<vmem>>
      %dma_wait3A_187 = arith.constant 0 : i32
      %dma_wait3A_188 = arith.constant 0 : i32
      %dma_wait3A_189 = tpu.memref_slice %arg10[%dma_wait3A_187, %dma_wait3A_188] : memref<10240x128xf32, #tpu.memory_space<vmem_shared>> -> memref<10240x128xf32, #tpu.memory_space<vmem_shared>>
      tpu.wait_indirect_dma semaphore(%arg13 : memref<!tpu.dma_semaphore, #tpu.memory_space<semaphore_mem>>) src(%dma_wait3A_183 : memref<128x128xf32, #tpu.memory_space<vmem>>) dst(%dma_wait3A_189 : memref<10240x128xf32, #tpu.memory_space<vmem_shared>>)
      %add3A_190 = arith.constant 1 : i32
      %add3A_191 = arith.addi %add3A_137, %add3A_190 : i32
      %lt3A = arith.constant 39 : i32
      %lt3A_192 = arith.cmpi slt, %add3A_191, %lt3A : i32
      %convert_element_type3A_193 = arith.extui %lt3A_192 : i1 to i32
      %cond3A_194 = arith.constant 0 : i32
      %cond3A_195 = arith.cmpi ne, %convert_element_type3A_193, %cond3A_194 : i32
      scf.if %cond3A_195 {
        %add3A_259 = arith.constant 1 : i32
        %add3A_260 = arith.addi %add3A_137, %add3A_259 : i32
        %mul3A_261 = arith.constant 128 : i32
        %mul3A_262 = arith.muli %add3A_260, %mul3A_261 : i32
        %add3A_263 = arith.addi %mul3A_2, %mul3A_262 : i32
        %dma_start3A_264 = arith.constant 0 : i32
        %dma_start3A_265 = arith.constant 0 : i32
        %dma_start3A_266 = tpu.memref_slice %arg8[%dma_start3A_264, %dma_start3A_265] : memref<2x128xi32, #tpu.memory_space<vmem>> -> memref<1x128xi32, #tpu.memory_space<vmem>>
        %dma_start3A_267 = tpu.memref_squeeze %dma_start3A_266 : memref<1x128xi32, #tpu.memory_space<vmem>> -> memref<128xi32, #tpu.memory_space<vmem>>
        %dma_start3A_268 = tpu.memref_slice %arg3[%add3A_263] : memref<160000xi32, #tpu.memory_space<hbm>> -> memref<128xi32, #tpu.memory_space<hbm>>
        %dma_start3A_269 = arith.constant 0 : i32
        %dma_start3A_270 = tpu.memref_slice %arg8[%dma_start3A_264, %dma_start3A_269] : memref<2x128xi32, #tpu.memory_space<vmem>> -> memref<1x128xi32, #tpu.memory_space<vmem>>
        %dma_start3A_271 = tpu.memref_squeeze %dma_start3A_270 : memref<1x128xi32, #tpu.memory_space<vmem>> -> memref<128xi32, #tpu.memory_space<vmem>>
        %dma_start3A_272 = tpu.memref_slice %arg3[%add3A_263] : memref<160000xi32, #tpu.memory_space<hbm>> -> memref<128xi32, #tpu.memory_space<hbm>>
        tpu.enqueue_dma source(%dma_start3A_272 : memref<128xi32, #tpu.memory_space<hbm>>) target(%dma_start3A_271 : memref<128xi32, #tpu.memory_space<vmem>>) target_semaphore(%arg11 : memref<!tpu.dma_semaphore, #tpu.memory_space<semaphore_mem>>)
        %mul3A_273 = arith.constant 128 : i32
        %mul3A_274 = arith.muli %add3A_260, %mul3A_273 : i32
        %add3A_275 = arith.addi %mul3A_2, %mul3A_274 : i32
        %dma_start3A_276 = arith.constant 0 : i32
        %dma_start3A_277 = arith.constant 0 : i32
        %dma_start3A_278 = arith.constant 0 : i32
        %dma_start3A_279 = tpu.memref_slice %arg9[%dma_start3A_276, %dma_start3A_277, %dma_start3A_278] : memref<2x128x128xf32, #tpu.memory_space<vmem>> -> memref<1x128x128xf32, #tpu.memory_space<vmem>>
        %dma_start3A_280 = tpu.memref_squeeze %dma_start3A_279 : memref<1x128x128xf32, #tpu.memory_space<vmem>> -> memref<128x128xf32, #tpu.memory_space<vmem>>
        %dma_start3A_281 = arith.constant 0 : i32
        %dma_start3A_282 = tpu.memref_slice %arg2[%add3A_275, %dma_start3A_281] : memref<160000x128xf32, #tpu.memory_space<hbm>> -> memref<128x128xf32, #tpu.memory_space<hbm>>
        %dma_start3A_283 = arith.constant 0 : i32
        %dma_start3A_284 = arith.constant 0 : i32
        %dma_start3A_285 = tpu.memref_slice %arg9[%dma_start3A_276, %dma_start3A_283, %dma_start3A_284] : memref<2x128x128xf32, #tpu.memory_space<vmem>> -> memref<1x128x128xf32, #tpu.memory_space<vmem>>
        %dma_start3A_286 = tpu.memref_squeeze %dma_start3A_285 : memref<1x128x128xf32, #tpu.memory_space<vmem>> -> memref<128x128xf32, #tpu.memory_space<vmem>>
        %dma_start3A_287 = arith.constant 0 : i32
        %dma_start3A_288 = tpu.memref_slice %arg2[%add3A_275, %dma_start3A_287] : memref<160000x128xf32, #tpu.memory_space<hbm>> -> memref<128x128xf32, #tpu.memory_space<hbm>>
        tpu.enqueue_dma source(%dma_start3A_288 : memref<128x128xf32, #tpu.memory_space<hbm>>) target(%dma_start3A_286 : memref<128x128xf32, #tpu.memory_space<vmem>>) target_semaphore(%arg11 : memref<!tpu.dma_semaphore, #tpu.memory_space<semaphore_mem>>)
      } else {
      }
      %mul3A_196 = arith.constant 2 : i32
      %mul3A_197 = arith.muli %mul3A_196, %scan3A_133 : i32
      %add3A_198 = arith.constant 2 : i32
      %add3A_199 = arith.addi %mul3A_197, %add3A_198 : i32
      %mul3A_200 = arith.constant 128 : i32
      %mul3A_201 = arith.muli %add3A_199, %mul3A_200 : i32
      %add3A_202 = arith.addi %mul3A_2, %mul3A_201 : i32
      %dma_wait3A_203 = arith.constant 0 : i32
      %dma_wait3A_204 = arith.constant 0 : i32
      %dma_wait3A_205 = tpu.memref_slice %arg8[%dma_wait3A_203, %dma_wait3A_204] : memref<2x128xi32, #tpu.memory_space<vmem>> -> memref<1x128xi32, #tpu.memory_space<vmem>>
      %dma_wait3A_206 = tpu.memref_squeeze %dma_wait3A_205 : memref<1x128xi32, #tpu.memory_space<vmem>> -> memref<128xi32, #tpu.memory_space<vmem>>
      %dma_wait3A_207 = tpu.memref_slice %arg3[%add3A_202] : memref<160000xi32, #tpu.memory_space<hbm>> -> memref<128xi32, #tpu.memory_space<hbm>>
      %dma_wait3A_208 = arith.constant 0 : i32
      %dma_wait3A_209 = tpu.memref_slice %arg8[%dma_wait3A_203, %dma_wait3A_208] : memref<2x128xi32, #tpu.memory_space<vmem>> -> memref<1x128xi32, #tpu.memory_space<vmem>>
      %dma_wait3A_210 = tpu.memref_squeeze %dma_wait3A_209 : memref<1x128xi32, #tpu.memory_space<vmem>> -> memref<128xi32, #tpu.memory_space<vmem>>
      %dma_wait3A_211 = tpu.memref_slice %arg3[%add3A_202] : memref<160000xi32, #tpu.memory_space<hbm>> -> memref<128xi32, #tpu.memory_space<hbm>>
      tpu.wait_dma2 semaphore(%arg11 : memref<!tpu.dma_semaphore, #tpu.memory_space<semaphore_mem>>) src(%dma_wait3A_211 : memref<128xi32, #tpu.memory_space<hbm>>) dst(%dma_wait3A_210 : memref<128xi32, #tpu.memory_space<vmem>>)
      %mul3A_212 = arith.constant 128 : i32
      %mul3A_213 = arith.muli %add3A_199, %mul3A_212 : i32
      %add3A_214 = arith.addi %mul3A_2, %mul3A_213 : i32
      %dma_wait3A_215 = arith.constant 0 : i32
      %dma_wait3A_216 = arith.constant 0 : i32
      %dma_wait3A_217 = arith.constant 0 : i32
      %dma_wait3A_218 = tpu.memref_slice %arg9[%dma_wait3A_215, %dma_wait3A_216, %dma_wait3A_217] : memref<2x128x128xf32, #tpu.memory_space<vmem>> -> memref<1x128x128xf32, #tpu.memory_space<vmem>>
      %dma_wait3A_219 = tpu.memref_squeeze %dma_wait3A_218 : memref<1x128x128xf32, #tpu.memory_space<vmem>> -> memref<128x128xf32, #tpu.memory_space<vmem>>
      %dma_wait3A_220 = arith.constant 0 : i32
      %dma_wait3A_221 = tpu.memref_slice %arg2[%add3A_214, %dma_wait3A_220] : memref<160000x128xf32, #tpu.memory_space<hbm>> -> memref<128x128xf32, #tpu.memory_space<hbm>>
      %dma_wait3A_222 = arith.constant 0 : i32
      %dma_wait3A_223 = arith.constant 0 : i32
      %dma_wait3A_224 = tpu.memref_slice %arg9[%dma_wait3A_215, %dma_wait3A_222, %dma_wait3A_223] : memref<2x128x128xf32, #tpu.memory_space<vmem>> -> memref<1x128x128xf32, #tpu.memory_space<vmem>>
      %dma_wait3A_225 = tpu.memref_squeeze %dma_wait3A_224 : memref<1x128x128xf32, #tpu.memory_space<vmem>> -> memref<128x128xf32, #tpu.memory_space<vmem>>
      %dma_wait3A_226 = arith.constant 0 : i32
      %dma_wait3A_227 = tpu.memref_slice %arg2[%add3A_214, %dma_wait3A_226] : memref<160000x128xf32, #tpu.memory_space<hbm>> -> memref<128x128xf32, #tpu.memory_space<hbm>>
      tpu.wait_dma2 semaphore(%arg11 : memref<!tpu.dma_semaphore, #tpu.memory_space<semaphore_mem>>) src(%dma_wait3A_227 : memref<128x128xf32, #tpu.memory_space<hbm>>) dst(%dma_wait3A_225 : memref<128x128xf32, #tpu.memory_space<vmem>>)
      %dma_start3A_228 = arith.constant 0 : i32
      %dma_start3A_229 = arith.constant 0 : i32
      %dma_start3A_230 = arith.constant 0 : i32
      %dma_start3A_231 = arith.constant 0 : i32
      %dma_start3A_232 = tpu.memref_slice %arg9[%dma_start3A_228, %dma_start3A_230, %dma_start3A_231] : memref<2x128x128xf32, #tpu.memory_space<vmem>> -> memref<1x128x128xf32, #tpu.memory_space<vmem>>
      %dma_start3A_233 = tpu.memref_squeeze %dma_start3A_232 : memref<1x128x128xf32, #tpu.memory_space<vmem>> -> memref<128x128xf32, #tpu.memory_space<vmem>>
      %dma_start3A_234 = arith.constant 0 : i32
      %dma_start3A_235 = tpu.memref_slice %arg8[%dma_start3A_229, %dma_start3A_234] : memref<2x128xi32, #tpu.memory_space<vmem>> -> memref<1x128xi32, #tpu.memory_space<vmem>>
      %dma_start3A_236 = tpu.memref_squeeze %dma_start3A_235 : memref<1x128xi32, #tpu.memory_space<vmem>> -> memref<128xi32, #tpu.memory_space<vmem>>
      %dma_start3A_237 = arith.constant 0 : i32
      %dma_start3A_238 = arith.constant 0 : i32
      %dma_start3A_239 = tpu.memref_slice %arg10[%dma_start3A_237, %dma_start3A_238] : memref<10240x128xf32, #tpu.memory_space<vmem_shared>> -> memref<10240x128xf32, #tpu.memory_space<vmem_shared>>
      tpu.enqueue_indirect_dma source(%dma_start3A_233 : memref<128x128xf32, #tpu.memory_space<vmem>>) target(%dma_start3A_239 : memref<10240x128xf32, #tpu.memory_space<vmem_shared>>) offsets(%dma_start3A_236 : memref<128xi32, #tpu.memory_space<vmem>>) semaphore(%arg13 : memref<!tpu.dma_semaphore, #tpu.memory_space<semaphore_mem>>) {add = true}
      %dma_wait3A_240 = arith.constant 1 : i32
      %dma_wait3A_241 = arith.constant 1 : i32
      %dma_wait3A_242 = arith.constant 0 : i32
      %dma_wait3A_243 = arith.constant 0 : i32
      %dma_wait3A_244 = tpu.memref_slice %arg9[%dma_wait3A_240, %dma_wait3A_242, %dma_wait3A_243] : memref<2x128x128xf32, #tpu.memory_space<vmem>> -> memref<1x128x128xf32, #tpu.memory_space<vmem>>
      %dma_wait3A_245 = tpu.memref_squeeze %dma_wait3A_244 : memref<1x128x128xf32, #tpu.memory_space<vmem>> -> memref<128x128xf32, #tpu.memory_space<vmem>>
      %dma_wait3A_246 = arith.constant 0 : i32
      %dma_wait3A_247 = tpu.memref_slice %arg8[%dma_wait3A_241, %dma_wait3A_246] : memref<2x128xi32, #tpu.memory_space<vmem>> -> memref<1x128xi32, #tpu.memory_space<vmem>>
      %dma_wait3A_248 = tpu.memref_squeeze %dma_wait3A_247 : memref<1x128xi32, #tpu.memory_space<vmem>> -> memref<128xi32, #tpu.memory_space<vmem>>
      %dma_wait3A_249 = arith.constant 0 : i32
      %dma_wait3A_250 = arith.constant 0 : i32
      %dma_wait3A_251 = tpu.memref_slice %arg10[%dma_wait3A_249, %dma_wait3A_250] : memref<10240x128xf32, #tpu.memory_space<vmem_shared>> -> memref<10240x128xf32, #tpu.memory_space<vmem_shared>>
      tpu.wait_indirect_dma semaphore(%arg14 : memref<!tpu.dma_semaphore, #tpu.memory_space<semaphore_mem>>) src(%dma_wait3A_245 : memref<128x128xf32, #tpu.memory_space<vmem>>) dst(%dma_wait3A_251 : memref<10240x128xf32, #tpu.memory_space<vmem_shared>>)
      %add3A_252 = arith.constant 1 : i32
      %add3A_253 = arith.addi %add3A_199, %add3A_252 : i32
      %lt3A_254 = arith.constant 39 : i32
      %lt3A_255 = arith.cmpi slt, %add3A_253, %lt3A_254 : i32
      %convert_element_type3A_256 = arith.extui %lt3A_255 : i1 to i32
      %cond3A_257 = arith.constant 0 : i32
      %cond3A_258 = arith.cmpi ne, %convert_element_type3A_256, %cond3A_257 : i32
      scf.if %cond3A_258 {
        %add3A_259 = arith.constant 1 : i32
        %add3A_260 = arith.addi %add3A_199, %add3A_259 : i32
        %mul3A_261 = arith.constant 128 : i32
        %mul3A_262 = arith.muli %add3A_260, %mul3A_261 : i32
        %add3A_263 = arith.addi %mul3A_2, %mul3A_262 : i32
        %dma_start3A_264 = arith.constant 1 : i32
        %dma_start3A_265 = arith.constant 0 : i32
        %dma_start3A_266 = tpu.memref_slice %arg8[%dma_start3A_264, %dma_start3A_265] : memref<2x128xi32, #tpu.memory_space<vmem>> -> memref<1x128xi32, #tpu.memory_space<vmem>>
        %dma_start3A_267 = tpu.memref_squeeze %dma_start3A_266 : memref<1x128xi32, #tpu.memory_space<vmem>> -> memref<128xi32, #tpu.memory_space<vmem>>
        %dma_start3A_268 = tpu.memref_slice %arg3[%add3A_263] : memref<160000xi32, #tpu.memory_space<hbm>> -> memref<128xi32, #tpu.memory_space<hbm>>
        %dma_start3A_269 = arith.constant 0 : i32
        %dma_start3A_270 = tpu.memref_slice %arg8[%dma_start3A_264, %dma_start3A_269] : memref<2x128xi32, #tpu.memory_space<vmem>> -> memref<1x128xi32, #tpu.memory_space<vmem>>
        %dma_start3A_271 = tpu.memref_squeeze %dma_start3A_270 : memref<1x128xi32, #tpu.memory_space<vmem>> -> memref<128xi32, #tpu.memory_space<vmem>>
        %dma_start3A_272 = tpu.memref_slice %arg3[%add3A_263] : memref<160000xi32, #tpu.memory_space<hbm>> -> memref<128xi32, #tpu.memory_space<hbm>>
        tpu.enqueue_dma source(%dma_start3A_272 : memref<128xi32, #tpu.memory_space<hbm>>) target(%dma_start3A_271 : memref<128xi32, #tpu.memory_space<vmem>>) target_semaphore(%arg12 : memref<!tpu.dma_semaphore, #tpu.memory_space<semaphore_mem>>)
        %mul3A_273 = arith.constant 128 : i32
        %mul3A_274 = arith.muli %add3A_260, %mul3A_273 : i32
        %add3A_275 = arith.addi %mul3A_2, %mul3A_274 : i32
        %dma_start3A_276 = arith.constant 1 : i32
        %dma_start3A_277 = arith.constant 0 : i32
        %dma_start3A_278 = arith.constant 0 : i32
        %dma_start3A_279 = tpu.memref_slice %arg9[%dma_start3A_276, %dma_start3A_277, %dma_start3A_278] : memref<2x128x128xf32, #tpu.memory_space<vmem>> -> memref<1x128x128xf32, #tpu.memory_space<vmem>>
        %dma_start3A_280 = tpu.memref_squeeze %dma_start3A_279 : memref<1x128x128xf32, #tpu.memory_space<vmem>> -> memref<128x128xf32, #tpu.memory_space<vmem>>
        %dma_start3A_281 = arith.constant 0 : i32
        %dma_start3A_282 = tpu.memref_slice %arg2[%add3A_275, %dma_start3A_281] : memref<160000x128xf32, #tpu.memory_space<hbm>> -> memref<128x128xf32, #tpu.memory_space<hbm>>
        %dma_start3A_283 = arith.constant 0 : i32
        %dma_start3A_284 = arith.constant 0 : i32
        %dma_start3A_285 = tpu.memref_slice %arg9[%dma_start3A_276, %dma_start3A_283, %dma_start3A_284] : memref<2x128x128xf32, #tpu.memory_space<vmem>> -> memref<1x128x128xf32, #tpu.memory_space<vmem>>
        %dma_start3A_286 = tpu.memref_squeeze %dma_start3A_285 : memref<1x128x128xf32, #tpu.memory_space<vmem>> -> memref<128x128xf32, #tpu.memory_space<vmem>>
        %dma_start3A_287 = arith.constant 0 : i32
        %dma_start3A_288 = tpu.memref_slice %arg2[%add3A_275, %dma_start3A_287] : memref<160000x128xf32, #tpu.memory_space<hbm>> -> memref<128x128xf32, #tpu.memory_space<hbm>>
        tpu.enqueue_dma source(%dma_start3A_288 : memref<128x128xf32, #tpu.memory_space<hbm>>) target(%dma_start3A_286 : memref<128x128xf32, #tpu.memory_space<vmem>>) target_semaphore(%arg12 : memref<!tpu.dma_semaphore, #tpu.memory_space<semaphore_mem>>)
      } else {
      }
    }
    %scan3A_104 = arith.constant 19 : i32
    %dma_wait3A_105 = arith.constant 0 : i32
    %dma_wait3A_106 = arith.constant 0 : i32
    %dma_wait3A_107 = arith.constant 0 : i32
    %dma_wait3A_108 = arith.constant 0 : i32
    %dma_wait3A_109 = tpu.memref_slice %arg9[%dma_wait3A_105, %dma_wait3A_107, %dma_wait3A_108] : memref<2x128x128xf32, #tpu.memory_space<vmem>> -> memref<1x128x128xf32, #tpu.memory_space<vmem>>
    %dma_wait3A_110 = tpu.memref_squeeze %dma_wait3A_109 : memref<1x128x128xf32, #tpu.memory_space<vmem>> -> memref<128x128xf32, #tpu.memory_space<vmem>>
    %dma_wait3A_111 = arith.constant 0 : i32
    %dma_wait3A_112 = tpu.memref_slice %arg8[%dma_wait3A_106, %dma_wait3A_111] : memref<2x128xi32, #tpu.memory_space<vmem>> -> memref<1x128xi32, #tpu.memory_space<vmem>>
    %dma_wait3A_113 = tpu.memref_squeeze %dma_wait3A_112 : memref<1x128xi32, #tpu.memory_space<vmem>> -> memref<128xi32, #tpu.memory_space<vmem>>
    %dma_wait3A_114 = arith.constant 0 : i32
    %dma_wait3A_115 = arith.constant 0 : i32
    %dma_wait3A_116 = tpu.memref_slice %arg10[%dma_wait3A_114, %dma_wait3A_115] : memref<10240x128xf32, #tpu.memory_space<vmem_shared>> -> memref<10240x128xf32, #tpu.memory_space<vmem_shared>>
    tpu.wait_indirect_dma semaphore(%arg13 : memref<!tpu.dma_semaphore, #tpu.memory_space<semaphore_mem>>) src(%dma_wait3A_110 : memref<128x128xf32, #tpu.memory_space<vmem>>) dst(%dma_wait3A_116 : memref<10240x128xf32, #tpu.memory_space<vmem_shared>>)
    %add3A_117 = arith.constant 4992 : i32
    %add3A_118 = arith.addi %mul3A_2, %add3A_117 : i32
    %add3A_119 = arith.constant 4992 : i32
    %add3A_120 = arith.addi %mul3A_2, %add3A_119 : i32
    %run_scoped3A = arith.constant 0 : i32
    "tpu.region"() ({
      %run_scoped3A_133 = tpu.sem_alloc : memref<!tpu.dma_semaphore, #tpu.memory_space<semaphore_mem>>
      %dma_start3A_134 = arith.constant 0 : i32
      %dma_start3A_135 = tpu.memref_slice %arg15[%run_scoped3A, %dma_start3A_134] : memref<1x8xi32, #tpu.memory_space<vmem>> -> memref<1x8xi32, #tpu.memory_space<vmem>>
      %dma_start3A_136 = tpu.memref_squeeze %dma_start3A_135 : memref<1x8xi32, #tpu.memory_space<vmem>> -> memref<8xi32, #tpu.memory_space<vmem>>
      %dma_start3A_137 = tpu.memref_slice %arg3[%add3A_118] : memref<160000xi32, #tpu.memory_space<hbm>> -> memref<8xi32, #tpu.memory_space<hbm>>
      %dma_start3A_138 = arith.constant 0 : i32
      %dma_start3A_139 = tpu.memref_slice %arg15[%run_scoped3A, %dma_start3A_138] : memref<1x8xi32, #tpu.memory_space<vmem>> -> memref<1x8xi32, #tpu.memory_space<vmem>>
      %dma_start3A_140 = tpu.memref_squeeze %dma_start3A_139 : memref<1x8xi32, #tpu.memory_space<vmem>> -> memref<8xi32, #tpu.memory_space<vmem>>
      %dma_start3A_141 = tpu.memref_slice %arg3[%add3A_118] : memref<160000xi32, #tpu.memory_space<hbm>> -> memref<8xi32, #tpu.memory_space<hbm>>
      tpu.enqueue_dma source(%dma_start3A_141 : memref<8xi32, #tpu.memory_space<hbm>>) target(%dma_start3A_140 : memref<8xi32, #tpu.memory_space<vmem>>) target_semaphore(%run_scoped3A_133 : memref<!tpu.dma_semaphore, #tpu.memory_space<semaphore_mem>>)
      %dma_wait3A_142 = arith.constant 0 : i32
      %dma_wait3A_143 = tpu.memref_slice %arg15[%run_scoped3A, %dma_wait3A_142] : memref<1x8xi32, #tpu.memory_space<vmem>> -> memref<1x8xi32, #tpu.memory_space<vmem>>
      %dma_wait3A_144 = tpu.memref_squeeze %dma_wait3A_143 : memref<1x8xi32, #tpu.memory_space<vmem>> -> memref<8xi32, #tpu.memory_space<vmem>>
      %dma_wait3A_145 = tpu.memref_slice %arg3[%add3A_118] : memref<160000xi32, #tpu.memory_space<hbm>> -> memref<8xi32, #tpu.memory_space<hbm>>
      %dma_wait3A_146 = arith.constant 0 : i32
      %dma_wait3A_147 = tpu.memref_slice %arg15[%run_scoped3A, %dma_wait3A_146] : memref<1x8xi32, #tpu.memory_space<vmem>> -> memref<1x8xi32, #tpu.memory_space<vmem>>
      %dma_wait3A_148 = tpu.memref_squeeze %dma_wait3A_147 : memref<1x8xi32, #tpu.memory_space<vmem>> -> memref<8xi32, #tpu.memory_space<vmem>>
      %dma_wait3A_149 = tpu.memref_slice %arg3[%add3A_118] : memref<160000xi32, #tpu.memory_space<hbm>> -> memref<8xi32, #tpu.memory_space<hbm>>
      tpu.wait_dma2 semaphore(%run_scoped3A_133 : memref<!tpu.dma_semaphore, #tpu.memory_space<semaphore_mem>>) src(%dma_wait3A_149 : memref<8xi32, #tpu.memory_space<hbm>>) dst(%dma_wait3A_148 : memref<8xi32, #tpu.memory_space<vmem>>)
      tpu.yield
    }) : () -> ()
    "tpu.region"() ({
      %run_scoped3A_133 = tpu.sem_alloc : memref<!tpu.dma_semaphore, #tpu.memory_space<semaphore_mem>>
      %dma_start3A_134 = arith.constant 0 : i32
      %dma_start3A_135 = tpu.memref_slice %arg2[%add3A_120, %dma_start3A_134] : memref<160000x128xf32, #tpu.memory_space<hbm>> -> memref<8x128xf32, #tpu.memory_space<hbm>>
      %dma_start3A_136 = arith.constant 0 : i32
      %dma_start3A_137 = tpu.memref_slice %arg2[%add3A_120, %dma_start3A_136] : memref<160000x128xf32, #tpu.memory_space<hbm>> -> memref<8x128xf32, #tpu.memory_space<hbm>>
      tpu.enqueue_dma source(%dma_start3A_137 : memref<8x128xf32, #tpu.memory_space<hbm>>) target(%arg16 : memref<8x128xf32, #tpu.memory_space<vmem>>) target_semaphore(%run_scoped3A_133 : memref<!tpu.dma_semaphore, #tpu.memory_space<semaphore_mem>>)
      %dma_wait3A_138 = arith.constant 0 : i32
      %dma_wait3A_139 = tpu.memref_slice %arg2[%add3A_120, %dma_wait3A_138] : memref<160000x128xf32, #tpu.memory_space<hbm>> -> memref<8x128xf32, #tpu.memory_space<hbm>>
      %dma_wait3A_140 = arith.constant 0 : i32
      %dma_wait3A_141 = tpu.memref_slice %arg2[%add3A_120, %dma_wait3A_140] : memref<160000x128xf32, #tpu.memory_space<hbm>> -> memref<8x128xf32, #tpu.memory_space<hbm>>
      tpu.wait_dma2 semaphore(%run_scoped3A_133 : memref<!tpu.dma_semaphore, #tpu.memory_space<semaphore_mem>>) src(%dma_wait3A_141 : memref<8x128xf32, #tpu.memory_space<hbm>>) dst(%arg16 : memref<8x128xf32, #tpu.memory_space<vmem>>)
      tpu.yield
    }) : () -> ()
    %run_scoped3A_121 = arith.constant 0 : i32
    "tpu.region"() ({
      %run_scoped3A_133 = tpu.sem_alloc : memref<!tpu.dma_semaphore, #tpu.memory_space<semaphore_mem>>
      %dma_start3A_134 = arith.constant 0 : i32
      %dma_start3A_135 = tpu.memref_slice %arg15[%run_scoped3A_121, %dma_start3A_134] : memref<1x8xi32, #tpu.memory_space<vmem>> -> memref<1x8xi32, #tpu.memory_space<vmem>>
      %dma_start3A_136 = tpu.memref_squeeze %dma_start3A_135 : memref<1x8xi32, #tpu.memory_space<vmem>> -> memref<8xi32, #tpu.memory_space<vmem>>
      %dma_start3A_137 = arith.constant 0 : i32
      %dma_start3A_138 = arith.constant 0 : i32
      %dma_start3A_139 = tpu.memref_slice %arg10[%dma_start3A_137, %dma_start3A_138] : memref<10240x128xf32, #tpu.memory_space<vmem_shared>> -> memref<10240x128xf32, #tpu.memory_space<vmem_shared>>
      tpu.enqueue_indirect_dma source(%arg16 : memref<8x128xf32, #tpu.memory_space<vmem>>) target(%dma_start3A_139 : memref<10240x128xf32, #tpu.memory_space<vmem_shared>>) offsets(%dma_start3A_136 : memref<8xi32, #tpu.memory_space<vmem>>) semaphore(%run_scoped3A_133 : memref<!tpu.dma_semaphore, #tpu.memory_space<semaphore_mem>>) {add = true}
      %dma_wait3A_140 = arith.constant 0 : i32
      %dma_wait3A_141 = tpu.memref_slice %arg15[%run_scoped3A_121, %dma_wait3A_140] : memref<1x8xi32, #tpu.memory_space<vmem>> -> memref<1x8xi32, #tpu.memory_space<vmem>>
      %dma_wait3A_142 = tpu.memref_squeeze %dma_wait3A_141 : memref<1x8xi32, #tpu.memory_space<vmem>> -> memref<8xi32, #tpu.memory_space<vmem>>
      %dma_wait3A_143 = arith.constant 0 : i32
      %dma_wait3A_144 = arith.constant 0 : i32
      %dma_wait3A_145 = tpu.memref_slice %arg10[%dma_wait3A_143, %dma_wait3A_144] : memref<10240x128xf32, #tpu.memory_space<vmem_shared>> -> memref<10240x128xf32, #tpu.memory_space<vmem_shared>>
      tpu.wait_indirect_dma semaphore(%run_scoped3A_133 : memref<!tpu.dma_semaphore, #tpu.memory_space<semaphore_mem>>) src(%arg16 : memref<8x128xf32, #tpu.memory_space<vmem>>) dst(%dma_wait3A_145 : memref<10240x128xf32, #tpu.memory_space<vmem_shared>>)
      tpu.yield
    }) : () -> ()
    %barrier3A_122 = arith.constant 0 : index
    tpu.barrier barrier_id(%barrier3A_122)
    %eq3A_123 = arith.constant 0 : i32
    %eq3A_124 = arith.cmpi eq, %arg0, %eq3A_123 : i32
    %convert_element_type3A_125 = arith.extui %eq3A_124 : i1 to i32
    %cond3A_126 = arith.constant 0 : i32
    %cond3A_127 = arith.cmpi ne, %convert_element_type3A_125, %cond3A_126 : i32
    scf.if %cond3A_127 {
      "tpu.region"() ({
        %run_scoped3A_133 = tpu.sem_alloc : memref<!tpu.dma_semaphore, #tpu.memory_space<semaphore_mem>>
        %dma_start3A_134 = arith.constant 0 : i32
        %dma_start3A_135 = tpu.memref_slice %arg6[%mul3A_4, %dma_start3A_134] : memref<10240x128xf32, #tpu.memory_space<hbm>> -> memref<640x128xf32, #tpu.memory_space<hbm>>
        %dma_start3A_136 = arith.constant 0 : i32
        %dma_start3A_137 = tpu.memref_slice %arg10[%mul3A_4, %dma_start3A_136] : memref<10240x128xf32, #tpu.memory_space<vmem_shared>> -> memref<640x128xf32, #tpu.memory_space<vmem_shared>>
        tpu.enqueue_dma source(%dma_start3A_137 : memref<640x128xf32, #tpu.memory_space<vmem_shared>>) target(%dma_start3A_135 : memref<640x128xf32, #tpu.memory_space<hbm>>) target_semaphore(%run_scoped3A_133 : memref<!tpu.dma_semaphore, #tpu.memory_space<semaphore_mem>>)
        %dma_wait3A_138 = arith.constant 0 : i32
        %dma_wait3A_139 = tpu.memref_slice %arg6[%mul3A_4, %dma_wait3A_138] : memref<10240x128xf32, #tpu.memory_space<hbm>> -> memref<640x128xf32, #tpu.memory_space<hbm>>
        %dma_wait3A_140 = arith.constant 0 : i32
        %dma_wait3A_141 = tpu.memref_slice %arg10[%mul3A_4, %dma_wait3A_140] : memref<10240x128xf32, #tpu.memory_space<vmem_shared>> -> memref<640x128xf32, #tpu.memory_space<vmem_shared>>
        tpu.wait_dma2 semaphore(%run_scoped3A_133 : memref<!tpu.dma_semaphore, #tpu.memory_space<semaphore_mem>>) src(%dma_wait3A_141 : memref<640x128xf32, #tpu.memory_space<vmem_shared>>) dst(%dma_wait3A_139 : memref<640x128xf32, #tpu.memory_space<hbm>>)
        tpu.yield
      }) : () -> ()
    } else {
    }
    %eq3A_128 = arith.constant 1 : i32
    %eq3A_129 = arith.cmpi eq, %arg0, %eq3A_128 : i32
    %convert_element_type3A_130 = arith.extui %eq3A_129 : i1 to i32
    %cond3A_131 = arith.constant 0 : i32
    %cond3A_132 = arith.cmpi ne, %convert_element_type3A_130, %cond3A_131 : i32
    scf.if %cond3A_132 {
      "tpu.region"() ({
        %run_scoped3A_133 = tpu.sem_alloc : memref<!tpu.dma_semaphore, #tpu.memory_space<semaphore_mem>>
        %dma_start3A_134 = arith.constant 0 : i32
        %dma_start3A_135 = tpu.memref_slice %arg7[%mul3A_4, %dma_start3A_134] : memref<10240x128xf32, #tpu.memory_space<hbm>> -> memref<640x128xf32, #tpu.memory_space<hbm>>
        %dma_start3A_136 = arith.constant 0 : i32
        %dma_start3A_137 = tpu.memref_slice %arg10[%mul3A_4, %dma_start3A_136] : memref<10240x128xf32, #tpu.memory_space<vmem_shared>> -> memref<640x128xf32, #tpu.memory_space<vmem_shared>>
        tpu.enqueue_dma source(%dma_start3A_137 : memref<640x128xf32, #tpu.memory_space<vmem_shared>>) target(%dma_start3A_135 : memref<640x128xf32, #tpu.memory_space<hbm>>) target_semaphore(%run_scoped3A_133 : memref<!tpu.dma_semaphore, #tpu.memory_space<semaphore_mem>>)
        %dma_wait3A_138 = arith.constant 0 : i32
        %dma_wait3A_139 = tpu.memref_slice %arg7[%mul3A_4, %dma_wait3A_138] : memref<10240x128xf32, #tpu.memory_space<hbm>> -> memref<640x128xf32, #tpu.memory_space<hbm>>
        %dma_wait3A_140 = arith.constant 0 : i32
        %dma_wait3A_141 = tpu.memref_slice %arg10[%mul3A_4, %dma_wait3A_140] : memref<10240x128xf32, #tpu.memory_space<vmem_shared>> -> memref<640x128xf32, #tpu.memory_space<vmem_shared>>
        tpu.wait_dma2 semaphore(%run_scoped3A_133 : memref<!tpu.dma_semaphore, #tpu.memory_space<semaphore_mem>>) src(%dma_wait3A_141 : memref<640x128xf32, #tpu.memory_space<vmem_shared>>) dst(%dma_wait3A_139 : memref<640x128xf32, #tpu.memory_space<hbm>>)
        tpu.yield
      }) : () -> ()
    } else {
    }
    return
  }
}

#map = affine_map<(d0, d1) -> (0, 0)>
#map1 = affine_map<(d0, d1) -> (0)>
module attributes {stable_mosaic.version = 14 : i64} {
  func.func @scatter_kernel(%arg0: i32, %arg1: i32, %arg2: memref<160000x128xf32, #tpu.memory_space<hbm>>, %arg3: memref<160000xi32, #tpu.memory_space<hbm>>, %arg4: memref<10240x128xf32, #tpu.memory_space<hbm>>, %arg5: memref<10240x128xf32, #tpu.memory_space<hbm>>, %arg6: memref<10240x128xf32, #tpu.memory_space<hbm>>, %arg7: memref<10240x128xf32, #tpu.memory_space<hbm>>, %arg8: memref<2x128xi32, #tpu.memory_space<vmem>>, %arg9: memref<2x128x128xf32, #tpu.memory_space<vmem>>, %arg10: memref<10240x128xf32, #tpu.memory_space<vmem_shared>>, %arg11: memref<!tpu.dma_semaphore, #tpu.memory_space<semaphore_mem>>, %arg12: memref<!tpu.dma_semaphore, #tpu.memory_space<semaphore_mem>>, %arg13: memref<!tpu.dma_semaphore, #tpu.memory_space<semaphore_mem>>, %arg14: memref<!tpu.dma_semaphore, #tpu.memory_space<semaphore_mem>>, %arg15: memref<1x8xi32, #tpu.memory_space<vmem>>, %arg16: memref<8x128xf32, #tpu.memory_space<vmem>>) attributes {dimension_semantics = [#tpu.dimension_semantics<core_parallel>, #tpu.dimension_semantics<subcore_parallel>], iteration_bounds = array<i64: 2, 16>, scalar_prefetch = 0 : i64, scratch_operands = 9 : i64, tpu.core_type = #tpu.core_type<sc_vector_subcore>, window_params = [{transform_indices = #map}, {transform_indices = #map1}, {transform_indices = #map}, {transform_indices = #map}, {transform_indices = #map}, {transform_indices = #map}]} {
    %mul3A = arith.constant 2 : i32
    %mul3A_0 = arith.muli %arg1, %mul3A : i32
    %add3A = arith.addi %mul3A_0, %arg0 : i32
    %mul3A_1 = arith.constant 5000 : i32
    %mul3A_2 = arith.muli %add3A, %mul3A_1 : i32
    %mul3A_3 = arith.constant 640 : i32
    %mul3A_4 = arith.muli %arg1, %mul3A_3 : i32
    %eq3A = arith.constant 0 : i32
    %eq3A_5 = arith.cmpi eq, %arg0, %eq3A : i32
    %convert_element_type3A = arith.extui %eq3A_5 : i1 to i32
    %cond3A = arith.constant 0 : i32
    %cond3A_6 = arith.cmpi ne, %convert_element_type3A, %cond3A : i32
    scf.if %cond3A_6 {
      "tpu.region"() ({
        %run_scoped3A_133 = tpu.sem_alloc : memref<!tpu.dma_semaphore, #tpu.memory_space<semaphore_mem>>
        %dma_start3A_134 = arith.constant 0 : i32
        %dma_start3A_135 = tpu.memref_slice %arg10[%mul3A_4, %dma_start3A_134] : memref<10240x128xf32, #tpu.memory_space<vmem_shared>> -> memref<640x128xf32, #tpu.memory_space<vmem_shared>>
        %dma_start3A_136 = arith.constant 0 : i32
        %dma_start3A_137 = tpu.memref_slice %arg4[%mul3A_4, %dma_start3A_136] : memref<10240x128xf32, #tpu.memory_space<hbm>> -> memref<640x128xf32, #tpu.memory_space<hbm>>
        tpu.enqueue_dma source(%dma_start3A_137 : memref<640x128xf32, #tpu.memory_space<hbm>>) target(%dma_start3A_135 : memref<640x128xf32, #tpu.memory_space<vmem_shared>>) target_semaphore(%run_scoped3A_133 : memref<!tpu.dma_semaphore, #tpu.memory_space<semaphore_mem>>)
        %dma_wait3A_138 = arith.constant 0 : i32
        %dma_wait3A_139 = tpu.memref_slice %arg10[%mul3A_4, %dma_wait3A_138] : memref<10240x128xf32, #tpu.memory_space<vmem_shared>> -> memref<640x128xf32, #tpu.memory_space<vmem_shared>>
        %dma_wait3A_140 = arith.constant 0 : i32
        %dma_wait3A_141 = tpu.memref_slice %arg4[%mul3A_4, %dma_wait3A_140] : memref<10240x128xf32, #tpu.memory_space<hbm>> -> memref<640x128xf32, #tpu.memory_space<hbm>>
        tpu.wait_dma2 semaphore(%run_scoped3A_133 : memref<!tpu.dma_semaphore, #tpu.memory_space<semaphore_mem>>) src(%dma_wait3A_141 : memref<640x128xf32, #tpu.memory_space<hbm>>) dst(%dma_wait3A_139 : memref<640x128xf32, #tpu.memory_space<vmem_shared>>)
        tpu.yield
      }) : () -> ()
    } else {
    }
    %eq3A_7 = arith.constant 1 : i32
    %eq3A_8 = arith.cmpi eq, %arg0, %eq3A_7 : i32
    %convert_element_type3A_9 = arith.extui %eq3A_8 : i1 to i32
    %cond3A_10 = arith.constant 0 : i32
    %cond3A_11 = arith.cmpi ne, %convert_element_type3A_9, %cond3A_10 : i32
    scf.if %cond3A_11 {
      "tpu.region"() ({
        %run_scoped3A_133 = tpu.sem_alloc : memref<!tpu.dma_semaphore, #tpu.memory_space<semaphore_mem>>
        %dma_start3A_134 = arith.constant 0 : i32
        %dma_start3A_135 = tpu.memref_slice %arg10[%mul3A_4, %dma_start3A_134] : memref<10240x128xf32, #tpu.memory_space<vmem_shared>> -> memref<640x128xf32, #tpu.memory_space<vmem_shared>>
        %dma_start3A_136 = arith.constant 0 : i32
        %dma_start3A_137 = tpu.memref_slice %arg5[%mul3A_4, %dma_start3A_136] : memref<10240x128xf32, #tpu.memory_space<hbm>> -> memref<640x128xf32, #tpu.memory_space<hbm>>
        tpu.enqueue_dma source(%dma_start3A_137 : memref<640x128xf32, #tpu.memory_space<hbm>>) target(%dma_start3A_135 : memref<640x128xf32, #tpu.memory_space<vmem_shared>>) target_semaphore(%run_scoped3A_133 : memref<!tpu.dma_semaphore, #tpu.memory_space<semaphore_mem>>)
        %dma_wait3A_138 = arith.constant 0 : i32
        %dma_wait3A_139 = tpu.memref_slice %arg10[%mul3A_4, %dma_wait3A_138] : memref<10240x128xf32, #tpu.memory_space<vmem_shared>> -> memref<640x128xf32, #tpu.memory_space<vmem_shared>>
        %dma_wait3A_140 = arith.constant 0 : i32
        %dma_wait3A_141 = tpu.memref_slice %arg5[%mul3A_4, %dma_wait3A_140] : memref<10240x128xf32, #tpu.memory_space<hbm>> -> memref<640x128xf32, #tpu.memory_space<hbm>>
        tpu.wait_dma2 semaphore(%run_scoped3A_133 : memref<!tpu.dma_semaphore, #tpu.memory_space<semaphore_mem>>) src(%dma_wait3A_141 : memref<640x128xf32, #tpu.memory_space<hbm>>) dst(%dma_wait3A_139 : memref<640x128xf32, #tpu.memory_space<vmem_shared>>)
        tpu.yield
      }) : () -> ()
    } else {
    }
    %barrier3A = arith.constant 0 : index
    tpu.barrier barrier_id(%barrier3A)
    %add3A_12 = arith.constant 0 : i32
    %add3A_13 = arith.addi %mul3A_2, %add3A_12 : i32
    %dma_start3A = arith.constant 0 : i32
    %dma_start3A_14 = arith.constant 0 : i32
    %dma_start3A_15 = tpu.memref_slice %arg8[%dma_start3A, %dma_start3A_14] : memref<2x128xi32, #tpu.memory_space<vmem>> -> memref<1x128xi32, #tpu.memory_space<vmem>>
    %dma_start3A_16 = tpu.memref_squeeze %dma_start3A_15 : memref<1x128xi32, #tpu.memory_space<vmem>> -> memref<128xi32, #tpu.memory_space<vmem>>
    %dma_start3A_17 = tpu.memref_slice %arg3[%add3A_13] : memref<160000xi32, #tpu.memory_space<hbm>> -> memref<128xi32, #tpu.memory_space<hbm>>
    %dma_start3A_18 = arith.constant 0 : i32
    %dma_start3A_19 = tpu.memref_slice %arg8[%dma_start3A, %dma_start3A_18] : memref<2x128xi32, #tpu.memory_space<vmem>> -> memref<1x128xi32, #tpu.memory_space<vmem>>
    %dma_start3A_20 = tpu.memref_squeeze %dma_start3A_19 : memref<1x128xi32, #tpu.memory_space<vmem>> -> memref<128xi32, #tpu.memory_space<vmem>>
    %dma_start3A_21 = tpu.memref_slice %arg3[%add3A_13] : memref<160000xi32, #tpu.memory_space<hbm>> -> memref<128xi32, #tpu.memory_space<hbm>>
    tpu.enqueue_dma source(%dma_start3A_21 : memref<128xi32, #tpu.memory_space<hbm>>) target(%dma_start3A_20 : memref<128xi32, #tpu.memory_space<vmem>>) target_semaphore(%arg11 : memref<!tpu.dma_semaphore, #tpu.memory_space<semaphore_mem>>)
    %add3A_22 = arith.constant 0 : i32
    %add3A_23 = arith.addi %mul3A_2, %add3A_22 : i32
    %dma_start3A_24 = arith.constant 0 : i32
    %dma_start3A_25 = arith.constant 0 : i32
    %dma_start3A_26 = arith.constant 0 : i32
    %dma_start3A_27 = tpu.memref_slice %arg9[%dma_start3A_24, %dma_start3A_25, %dma_start3A_26] : memref<2x128x128xf32, #tpu.memory_space<vmem>> -> memref<1x128x128xf32, #tpu.memory_space<vmem>>
    %dma_start3A_28 = tpu.memref_squeeze %dma_start3A_27 : memref<1x128x128xf32, #tpu.memory_space<vmem>> -> memref<128x128xf32, #tpu.memory_space<vmem>>
    %dma_start3A_29 = arith.constant 0 : i32
    %dma_start3A_30 = tpu.memref_slice %arg2[%add3A_23, %dma_start3A_29] : memref<160000x128xf32, #tpu.memory_space<hbm>> -> memref<128x128xf32, #tpu.memory_space<hbm>>
    %dma_start3A_31 = arith.constant 0 : i32
    %dma_start3A_32 = arith.constant 0 : i32
    %dma_start3A_33 = tpu.memref_slice %arg9[%dma_start3A_24, %dma_start3A_31, %dma_start3A_32] : memref<2x128x128xf32, #tpu.memory_space<vmem>> -> memref<1x128x128xf32, #tpu.memory_space<vmem>>
    %dma_start3A_34 = tpu.memref_squeeze %dma_start3A_33 : memref<1x128x128xf32, #tpu.memory_space<vmem>> -> memref<128x128xf32, #tpu.memory_space<vmem>>
    %dma_start3A_35 = arith.constant 0 : i32
    %dma_start3A_36 = tpu.memref_slice %arg2[%add3A_23, %dma_start3A_35] : memref<160000x128xf32, #tpu.memory_space<hbm>> -> memref<128x128xf32, #tpu.memory_space<hbm>>
    tpu.enqueue_dma source(%dma_start3A_36 : memref<128x128xf32, #tpu.memory_space<hbm>>) target(%dma_start3A_34 : memref<128x128xf32, #tpu.memory_space<vmem>>) target_semaphore(%arg11 : memref<!tpu.dma_semaphore, #tpu.memory_space<semaphore_mem>>)
    %add3A_37 = arith.constant 128 : i32
    %add3A_38 = arith.addi %mul3A_2, %add3A_37 : i32
    %dma_start3A_39 = arith.constant 1 : i32
    %dma_start3A_40 = arith.constant 0 : i32
    %dma_start3A_41 = tpu.memref_slice %arg8[%dma_start3A_39, %dma_start3A_40] : memref<2x128xi32, #tpu.memory_space<vmem>> -> memref<1x128xi32, #tpu.memory_space<vmem>>
    %dma_start3A_42 = tpu.memref_squeeze %dma_start3A_41 : memref<1x128xi32, #tpu.memory_space<vmem>> -> memref<128xi32, #tpu.memory_space<vmem>>
    %dma_start3A_43 = tpu.memref_slice %arg3[%add3A_38] : memref<160000xi32, #tpu.memory_space<hbm>> -> memref<128xi32, #tpu.memory_space<hbm>>
    %dma_start3A_44 = arith.constant 0 : i32
    %dma_start3A_45 = tpu.memref_slice %arg8[%dma_start3A_39, %dma_start3A_44] : memref<2x128xi32, #tpu.memory_space<vmem>> -> memref<1x128xi32, #tpu.memory_space<vmem>>
    %dma_start3A_46 = tpu.memref_squeeze %dma_start3A_45 : memref<1x128xi32, #tpu.memory_space<vmem>> -> memref<128xi32, #tpu.memory_space<vmem>>
    %dma_start3A_47 = tpu.memref_slice %arg3[%add3A_38] : memref<160000xi32, #tpu.memory_space<hbm>> -> memref<128xi32, #tpu.memory_space<hbm>>
    tpu.enqueue_dma source(%dma_start3A_47 : memref<128xi32, #tpu.memory_space<hbm>>) target(%dma_start3A_46 : memref<128xi32, #tpu.memory_space<vmem>>) target_semaphore(%arg12 : memref<!tpu.dma_semaphore, #tpu.memory_space<semaphore_mem>>)
    %add3A_48 = arith.constant 128 : i32
    %add3A_49 = arith.addi %mul3A_2, %add3A_48 : i32
    %dma_start3A_50 = arith.constant 1 : i32
    %dma_start3A_51 = arith.constant 0 : i32
    %dma_start3A_52 = arith.constant 0 : i32
    %dma_start3A_53 = tpu.memref_slice %arg9[%dma_start3A_50, %dma_start3A_51, %dma_start3A_52] : memref<2x128x128xf32, #tpu.memory_space<vmem>> -> memref<1x128x128xf32, #tpu.memory_space<vmem>>
    %dma_start3A_54 = tpu.memref_squeeze %dma_start3A_53 : memref<1x128x128xf32, #tpu.memory_space<vmem>> -> memref<128x128xf32, #tpu.memory_space<vmem>>
    %dma_start3A_55 = arith.constant 0 : i32
    %dma_start3A_56 = tpu.memref_slice %arg2[%add3A_49, %dma_start3A_55] : memref<160000x128xf32, #tpu.memory_space<hbm>> -> memref<128x128xf32, #tpu.memory_space<hbm>>
    %dma_start3A_57 = arith.constant 0 : i32
    %dma_start3A_58 = arith.constant 0 : i32
    %dma_start3A_59 = tpu.memref_slice %arg9[%dma_start3A_50, %dma_start3A_57, %dma_start3A_58] : memref<2x128x128xf32, #tpu.memory_space<vmem>> -> memref<1x128x128xf32, #tpu.memory_space<vmem>>
    %dma_start3A_60 = tpu.memref_squeeze %dma_start3A_59 : memref<1x128x128xf32, #tpu.memory_space<vmem>> -> memref<128x128xf32, #tpu.memory_space<vmem>>
    %dma_start3A_61 = arith.constant 0 : i32
    %dma_start3A_62 = tpu.memref_slice %arg2[%add3A_49, %dma_start3A_61] : memref<160000x128xf32, #tpu.memory_space<hbm>> -> memref<128x128xf32, #tpu.memory_space<hbm>>
    tpu.enqueue_dma source(%dma_start3A_62 : memref<128x128xf32, #tpu.memory_space<hbm>>) target(%dma_start3A_60 : memref<128x128xf32, #tpu.memory_space<vmem>>) target_semaphore(%arg12 : memref<!tpu.dma_semaphore, #tpu.memory_space<semaphore_mem>>)
    %add3A_63 = arith.constant 0 : i32
    %add3A_64 = arith.addi %mul3A_2, %add3A_63 : i32
    %dma_wait3A = arith.constant 0 : i32
    %dma_wait3A_65 = arith.constant 0 : i32
    %dma_wait3A_66 = tpu.memref_slice %arg8[%dma_wait3A, %dma_wait3A_65] : memref<2x128xi32, #tpu.memory_space<vmem>> -> memref<1x128xi32, #tpu.memory_space<vmem>>
    %dma_wait3A_67 = tpu.memref_squeeze %dma_wait3A_66 : memref<1x128xi32, #tpu.memory_space<vmem>> -> memref<128xi32, #tpu.memory_space<vmem>>
    %dma_wait3A_68 = tpu.memref_slice %arg3[%add3A_64] : memref<160000xi32, #tpu.memory_space<hbm>> -> memref<128xi32, #tpu.memory_space<hbm>>
    %dma_wait3A_69 = arith.constant 0 : i32
    %dma_wait3A_70 = tpu.memref_slice %arg8[%dma_wait3A, %dma_wait3A_69] : memref<2x128xi32, #tpu.memory_space<vmem>> -> memref<1x128xi32, #tpu.memory_space<vmem>>
    %dma_wait3A_71 = tpu.memref_squeeze %dma_wait3A_70 : memref<1x128xi32, #tpu.memory_space<vmem>> -> memref<128xi32, #tpu.memory_space<vmem>>
    %dma_wait3A_72 = tpu.memref_slice %arg3[%add3A_64] : memref<160000xi32, #tpu.memory_space<hbm>> -> memref<128xi32, #tpu.memory_space<hbm>>
    tpu.wait_dma2 semaphore(%arg11 : memref<!tpu.dma_semaphore, #tpu.memory_space<semaphore_mem>>) src(%dma_wait3A_72 : memref<128xi32, #tpu.memory_space<hbm>>) dst(%dma_wait3A_71 : memref<128xi32, #tpu.memory_space<vmem>>)
    %add3A_73 = arith.constant 0 : i32
    %add3A_74 = arith.addi %mul3A_2, %add3A_73 : i32
    %dma_wait3A_75 = arith.constant 0 : i32
    %dma_wait3A_76 = arith.constant 0 : i32
    %dma_wait3A_77 = arith.constant 0 : i32
    %dma_wait3A_78 = tpu.memref_slice %arg9[%dma_wait3A_75, %dma_wait3A_76, %dma_wait3A_77] : memref<2x128x128xf32, #tpu.memory_space<vmem>> -> memref<1x128x128xf32, #tpu.memory_space<vmem>>
    %dma_wait3A_79 = tpu.memref_squeeze %dma_wait3A_78 : memref<1x128x128xf32, #tpu.memory_space<vmem>> -> memref<128x128xf32, #tpu.memory_space<vmem>>
    %dma_wait3A_80 = arith.constant 0 : i32
    %dma_wait3A_81 = tpu.memref_slice %arg2[%add3A_74, %dma_wait3A_80] : memref<160000x128xf32, #tpu.memory_space<hbm>> -> memref<128x128xf32, #tpu.memory_space<hbm>>
    %dma_wait3A_82 = arith.constant 0 : i32
    %dma_wait3A_83 = arith.constant 0 : i32
    %dma_wait3A_84 = tpu.memref_slice %arg9[%dma_wait3A_75, %dma_wait3A_82, %dma_wait3A_83] : memref<2x128x128xf32, #tpu.memory_space<vmem>> -> memref<1x128x128xf32, #tpu.memory_space<vmem>>
    %dma_wait3A_85 = tpu.memref_squeeze %dma_wait3A_84 : memref<1x128x128xf32, #tpu.memory_space<vmem>> -> memref<128x128xf32, #tpu.memory_space<vmem>>
    %dma_wait3A_86 = arith.constant 0 : i32
    %dma_wait3A_87 = tpu.memref_slice %arg2[%add3A_74, %dma_wait3A_86] : memref<160000x128xf32, #tpu.memory_space<hbm>> -> memref<128x128xf32, #tpu.memory_space<hbm>>
    tpu.wait_dma2 semaphore(%arg11 : memref<!tpu.dma_semaphore, #tpu.memory_space<semaphore_mem>>) src(%dma_wait3A_87 : memref<128x128xf32, #tpu.memory_space<hbm>>) dst(%dma_wait3A_85 : memref<128x128xf32, #tpu.memory_space<vmem>>)
    %dma_start3A_88 = arith.constant 0 : i32
    %dma_start3A_89 = arith.constant 0 : i32
    %dma_start3A_90 = arith.constant 0 : i32
    %dma_start3A_91 = arith.constant 0 : i32
    %dma_start3A_92 = tpu.memref_slice %arg9[%dma_start3A_88, %dma_start3A_90, %dma_start3A_91] : memref<2x128x128xf32, #tpu.memory_space<vmem>> -> memref<1x128x128xf32, #tpu.memory_space<vmem>>
    %dma_start3A_93 = tpu.memref_squeeze %dma_start3A_92 : memref<1x128x128xf32, #tpu.memory_space<vmem>> -> memref<128x128xf32, #tpu.memory_space<vmem>>
    %dma_start3A_94 = arith.constant 0 : i32
    %dma_start3A_95 = tpu.memref_slice %arg8[%dma_start3A_89, %dma_start3A_94] : memref<2x128xi32, #tpu.memory_space<vmem>> -> memref<1x128xi32, #tpu.memory_space<vmem>>
    %dma_start3A_96 = tpu.memref_squeeze %dma_start3A_95 : memref<1x128xi32, #tpu.memory_space<vmem>> -> memref<128xi32, #tpu.memory_space<vmem>>
    %dma_start3A_97 = arith.constant 0 : i32
    %dma_start3A_98 = arith.constant 0 : i32
    %dma_start3A_99 = tpu.memref_slice %arg10[%dma_start3A_97, %dma_start3A_98] : memref<10240x128xf32, #tpu.memory_space<vmem_shared>> -> memref<10240x128xf32, #tpu.memory_space<vmem_shared>>
    tpu.enqueue_indirect_dma source(%dma_start3A_93 : memref<128x128xf32, #tpu.memory_space<vmem>>) target(%dma_start3A_99 : memref<10240x128xf32, #tpu.memory_space<vmem_shared>>) offsets(%dma_start3A_96 : memref<128xi32, #tpu.memory_space<vmem>>) semaphore(%arg13 : memref<!tpu.dma_semaphore, #tpu.memory_space<semaphore_mem>>) {add = true}
    %scan3A = arith.constant 0 : i32
    %scan3A_100 = arith.constant 0 : i32
    %scan3A_101 = arith.constant 19 : i32
    %scan3A_102 = arith.addi %scan3A_100, %scan3A_101 : i32
    %scan3A_103 = arith.constant 1 : i32
    scf.for %scan3A_133 = %scan3A_100 to %scan3A_102 step %scan3A_103  : i32 {
      %mul3A_134 = arith.constant 2 : i32
      %mul3A_135 = arith.muli %mul3A_134, %scan3A_133 : i32
      %add3A_136 = arith.constant 1 : i32
      %add3A_137 = arith.addi %mul3A_135, %add3A_136 : i32
      %mul3A_138 = arith.constant 128 : i32
      %mul3A_139 = arith.muli %add3A_137, %mul3A_138 : i32
      %add3A_140 = arith.addi %mul3A_2, %mul3A_139 : i32
      %dma_wait3A_141 = arith.constant 1 : i32
      %dma_wait3A_142 = arith.constant 0 : i32
      %dma_wait3A_143 = tpu.memref_slice %arg8[%dma_wait3A_141, %dma_wait3A_142] : memref<2x128xi32, #tpu.memory_space<vmem>> -> memref<1x128xi32, #tpu.memory_space<vmem>>
      %dma_wait3A_144 = tpu.memref_squeeze %dma_wait3A_143 : memref<1x128xi32, #tpu.memory_space<vmem>> -> memref<128xi32, #tpu.memory_space<vmem>>
      %dma_wait3A_145 = tpu.memref_slice %arg3[%add3A_140] : memref<160000xi32, #tpu.memory_space<hbm>> -> memref<128xi32, #tpu.memory_space<hbm>>
      %dma_wait3A_146 = arith.constant 0 : i32
      %dma_wait3A_147 = tpu.memref_slice %arg8[%dma_wait3A_141, %dma_wait3A_146] : memref<2x128xi32, #tpu.memory_space<vmem>> -> memref<1x128xi32, #tpu.memory_space<vmem>>
      %dma_wait3A_148 = tpu.memref_squeeze %dma_wait3A_147 : memref<1x128xi32, #tpu.memory_space<vmem>> -> memref<128xi32, #tpu.memory_space<vmem>>
      %dma_wait3A_149 = tpu.memref_slice %arg3[%add3A_140] : memref<160000xi32, #tpu.memory_space<hbm>> -> memref<128xi32, #tpu.memory_space<hbm>>
      tpu.wait_dma2 semaphore(%arg12 : memref<!tpu.dma_semaphore, #tpu.memory_space<semaphore_mem>>) src(%dma_wait3A_149 : memref<128xi32, #tpu.memory_space<hbm>>) dst(%dma_wait3A_148 : memref<128xi32, #tpu.memory_space<vmem>>)
      %mul3A_150 = arith.constant 128 : i32
      %mul3A_151 = arith.muli %add3A_137, %mul3A_150 : i32
      %add3A_152 = arith.addi %mul3A_2, %mul3A_151 : i32
      %dma_wait3A_153 = arith.constant 1 : i32
      %dma_wait3A_154 = arith.constant 0 : i32
      %dma_wait3A_155 = arith.constant 0 : i32
      %dma_wait3A_156 = tpu.memref_slice %arg9[%dma_wait3A_153, %dma_wait3A_154, %dma_wait3A_155] : memref<2x128x128xf32, #tpu.memory_space<vmem>> -> memref<1x128x128xf32, #tpu.memory_space<vmem>>
      %dma_wait3A_157 = tpu.memref_squeeze %dma_wait3A_156 : memref<1x128x128xf32, #tpu.memory_space<vmem>> -> memref<128x128xf32, #tpu.memory_space<vmem>>
      %dma_wait3A_158 = arith.constant 0 : i32
      %dma_wait3A_159 = tpu.memref_slice %arg2[%add3A_152, %dma_wait3A_158] : memref<160000x128xf32, #tpu.memory_space<hbm>> -> memref<128x128xf32, #tpu.memory_space<hbm>>
      %dma_wait3A_160 = arith.constant 0 : i32
      %dma_wait3A_161 = arith.constant 0 : i32
      %dma_wait3A_162 = tpu.memref_slice %arg9[%dma_wait3A_153, %dma_wait3A_160, %dma_wait3A_161] : memref<2x128x128xf32, #tpu.memory_space<vmem>> -> memref<1x128x128xf32, #tpu.memory_space<vmem>>
      %dma_wait3A_163 = tpu.memref_squeeze %dma_wait3A_162 : memref<1x128x128xf32, #tpu.memory_space<vmem>> -> memref<128x128xf32, #tpu.memory_space<vmem>>
      %dma_wait3A_164 = arith.constant 0 : i32
      %dma_wait3A_165 = tpu.memref_slice %arg2[%add3A_152, %dma_wait3A_164] : memref<160000x128xf32, #tpu.memory_space<hbm>> -> memref<128x128xf32, #tpu.memory_space<hbm>>
      tpu.wait_dma2 semaphore(%arg12 : memref<!tpu.dma_semaphore, #tpu.memory_space<semaphore_mem>>) src(%dma_wait3A_165 : memref<128x128xf32, #tpu.memory_space<hbm>>) dst(%dma_wait3A_163 : memref<128x128xf32, #tpu.memory_space<vmem>>)
      %dma_start3A_166 = arith.constant 1 : i32
      %dma_start3A_167 = arith.constant 1 : i32
      %dma_start3A_168 = arith.constant 0 : i32
      %dma_start3A_169 = arith.constant 0 : i32
      %dma_start3A_170 = tpu.memref_slice %arg9[%dma_start3A_166, %dma_start3A_168, %dma_start3A_169] : memref<2x128x128xf32, #tpu.memory_space<vmem>> -> memref<1x128x128xf32, #tpu.memory_space<vmem>>
      %dma_start3A_171 = tpu.memref_squeeze %dma_start3A_170 : memref<1x128x128xf32, #tpu.memory_space<vmem>> -> memref<128x128xf32, #tpu.memory_space<vmem>>
      %dma_start3A_172 = arith.constant 0 : i32
      %dma_start3A_173 = tpu.memref_slice %arg8[%dma_start3A_167, %dma_start3A_172] : memref<2x128xi32, #tpu.memory_space<vmem>> -> memref<1x128xi32, #tpu.memory_space<vmem>>
      %dma_start3A_174 = tpu.memref_squeeze %dma_start3A_173 : memref<1x128xi32, #tpu.memory_space<vmem>> -> memref<128xi32, #tpu.memory_space<vmem>>
      %dma_start3A_175 = arith.constant 0 : i32
      %dma_start3A_176 = arith.constant 0 : i32
      %dma_start3A_177 = tpu.memref_slice %arg10[%dma_start3A_175, %dma_start3A_176] : memref<10240x128xf32, #tpu.memory_space<vmem_shared>> -> memref<10240x128xf32, #tpu.memory_space<vmem_shared>>
      tpu.enqueue_indirect_dma source(%dma_start3A_171 : memref<128x128xf32, #tpu.memory_space<vmem>>) target(%dma_start3A_177 : memref<10240x128xf32, #tpu.memory_space<vmem_shared>>) offsets(%dma_start3A_174 : memref<128xi32, #tpu.memory_space<vmem>>) semaphore(%arg14 : memref<!tpu.dma_semaphore, #tpu.memory_space<semaphore_mem>>) {add = true}
      %dma_wait3A_178 = arith.constant 0 : i32
      %dma_wait3A_179 = arith.constant 0 : i32
      %dma_wait3A_180 = arith.constant 0 : i32
      %dma_wait3A_181 = arith.constant 0 : i32
      %dma_wait3A_182 = tpu.memref_slice %arg9[%dma_wait3A_178, %dma_wait3A_180, %dma_wait3A_181] : memref<2x128x128xf32, #tpu.memory_space<vmem>> -> memref<1x128x128xf32, #tpu.memory_space<vmem>>
      %dma_wait3A_183 = tpu.memref_squeeze %dma_wait3A_182 : memref<1x128x128xf32, #tpu.memory_space<vmem>> -> memref<128x128xf32, #tpu.memory_space<vmem>>
      %dma_wait3A_184 = arith.constant 0 : i32
      %dma_wait3A_185 = tpu.memref_slice %arg8[%dma_wait3A_179, %dma_wait3A_184] : memref<2x128xi32, #tpu.memory_space<vmem>> -> memref<1x128xi32, #tpu.memory_space<vmem>>
      %dma_wait3A_186 = tpu.memref_squeeze %dma_wait3A_185 : memref<1x128xi32, #tpu.memory_space<vmem>> -> memref<128xi32, #tpu.memory_space<vmem>>
      %dma_wait3A_187 = arith.constant 0 : i32
      %dma_wait3A_188 = arith.constant 0 : i32
      %dma_wait3A_189 = tpu.memref_slice %arg10[%dma_wait3A_187, %dma_wait3A_188] : memref<10240x128xf32, #tpu.memory_space<vmem_shared>> -> memref<10240x128xf32, #tpu.memory_space<vmem_shared>>
      tpu.wait_indirect_dma semaphore(%arg13 : memref<!tpu.dma_semaphore, #tpu.memory_space<semaphore_mem>>) src(%dma_wait3A_183 : memref<128x128xf32, #tpu.memory_space<vmem>>) dst(%dma_wait3A_189 : memref<10240x128xf32, #tpu.memory_space<vmem_shared>>)
      %add3A_190 = arith.constant 1 : i32
      %add3A_191 = arith.addi %add3A_137, %add3A_190 : i32
      %lt3A = arith.constant 39 : i32
      %lt3A_192 = arith.cmpi slt, %add3A_191, %lt3A : i32
      %convert_element_type3A_193 = arith.extui %lt3A_192 : i1 to i32
      %cond3A_194 = arith.constant 0 : i32
      %cond3A_195 = arith.cmpi ne, %convert_element_type3A_193, %cond3A_194 : i32
      scf.if %cond3A_195 {
        %add3A_259 = arith.constant 1 : i32
        %add3A_260 = arith.addi %add3A_137, %add3A_259 : i32
        %mul3A_261 = arith.constant 128 : i32
        %mul3A_262 = arith.muli %add3A_260, %mul3A_261 : i32
        %add3A_263 = arith.addi %mul3A_2, %mul3A_262 : i32
        %dma_start3A_264 = arith.constant 0 : i32
        %dma_start3A_265 = arith.constant 0 : i32
        %dma_start3A_266 = tpu.memref_slice %arg8[%dma_start3A_264, %dma_start3A_265] : memref<2x128xi32, #tpu.memory_space<vmem>> -> memref<1x128xi32, #tpu.memory_space<vmem>>
        %dma_start3A_267 = tpu.memref_squeeze %dma_start3A_266 : memref<1x128xi32, #tpu.memory_space<vmem>> -> memref<128xi32, #tpu.memory_space<vmem>>
        %dma_start3A_268 = tpu.memref_slice %arg3[%add3A_263] : memref<160000xi32, #tpu.memory_space<hbm>> -> memref<128xi32, #tpu.memory_space<hbm>>
        %dma_start3A_269 = arith.constant 0 : i32
        %dma_start3A_270 = tpu.memref_slice %arg8[%dma_start3A_264, %dma_start3A_269] : memref<2x128xi32, #tpu.memory_space<vmem>> -> memref<1x128xi32, #tpu.memory_space<vmem>>
        %dma_start3A_271 = tpu.memref_squeeze %dma_start3A_270 : memref<1x128xi32, #tpu.memory_space<vmem>> -> memref<128xi32, #tpu.memory_space<vmem>>
        %dma_start3A_272 = tpu.memref_slice %arg3[%add3A_263] : memref<160000xi32, #tpu.memory_space<hbm>> -> memref<128xi32, #tpu.memory_space<hbm>>
        tpu.enqueue_dma source(%dma_start3A_272 : memref<128xi32, #tpu.memory_space<hbm>>) target(%dma_start3A_271 : memref<128xi32, #tpu.memory_space<vmem>>) target_semaphore(%arg11 : memref<!tpu.dma_semaphore, #tpu.memory_space<semaphore_mem>>)
        %mul3A_273 = arith.constant 128 : i32
        %mul3A_274 = arith.muli %add3A_260, %mul3A_273 : i32
        %add3A_275 = arith.addi %mul3A_2, %mul3A_274 : i32
        %dma_start3A_276 = arith.constant 0 : i32
        %dma_start3A_277 = arith.constant 0 : i32
        %dma_start3A_278 = arith.constant 0 : i32
        %dma_start3A_279 = tpu.memref_slice %arg9[%dma_start3A_276, %dma_start3A_277, %dma_start3A_278] : memref<2x128x128xf32, #tpu.memory_space<vmem>> -> memref<1x128x128xf32, #tpu.memory_space<vmem>>
        %dma_start3A_280 = tpu.memref_squeeze %dma_start3A_279 : memref<1x128x128xf32, #tpu.memory_space<vmem>> -> memref<128x128xf32, #tpu.memory_space<vmem>>
        %dma_start3A_281 = arith.constant 0 : i32
        %dma_start3A_282 = tpu.memref_slice %arg2[%add3A_275, %dma_start3A_281] : memref<160000x128xf32, #tpu.memory_space<hbm>> -> memref<128x128xf32, #tpu.memory_space<hbm>>
        %dma_start3A_283 = arith.constant 0 : i32
        %dma_start3A_284 = arith.constant 0 : i32
        %dma_start3A_285 = tpu.memref_slice %arg9[%dma_start3A_276, %dma_start3A_283, %dma_start3A_284] : memref<2x128x128xf32, #tpu.memory_space<vmem>> -> memref<1x128x128xf32, #tpu.memory_space<vmem>>
        %dma_start3A_286 = tpu.memref_squeeze %dma_start3A_285 : memref<1x128x128xf32, #tpu.memory_space<vmem>> -> memref<128x128xf32, #tpu.memory_space<vmem>>
        %dma_start3A_287 = arith.constant 0 : i32
        %dma_start3A_288 = tpu.memref_slice %arg2[%add3A_275, %dma_start3A_287] : memref<160000x128xf32, #tpu.memory_space<hbm>> -> memref<128x128xf32, #tpu.memory_space<hbm>>
        tpu.enqueue_dma source(%dma_start3A_288 : memref<128x128xf32, #tpu.memory_space<hbm>>) target(%dma_start3A_286 : memref<128x128xf32, #tpu.memory_space<vmem>>) target_semaphore(%arg11 : memref<!tpu.dma_semaphore, #tpu.memory_space<semaphore_mem>>)
      } else {
      }
      %mul3A_196 = arith.constant 2 : i32
      %mul3A_197 = arith.muli %mul3A_196, %scan3A_133 : i32
      %add3A_198 = arith.constant 2 : i32
      %add3A_199 = arith.addi %mul3A_197, %add3A_198 : i32
      %mul3A_200 = arith.constant 128 : i32
      %mul3A_201 = arith.muli %add3A_199, %mul3A_200 : i32
      %add3A_202 = arith.addi %mul3A_2, %mul3A_201 : i32
      %dma_wait3A_203 = arith.constant 0 : i32
      %dma_wait3A_204 = arith.constant 0 : i32
      %dma_wait3A_205 = tpu.memref_slice %arg8[%dma_wait3A_203, %dma_wait3A_204] : memref<2x128xi32, #tpu.memory_space<vmem>> -> memref<1x128xi32, #tpu.memory_space<vmem>>
      %dma_wait3A_206 = tpu.memref_squeeze %dma_wait3A_205 : memref<1x128xi32, #tpu.memory_space<vmem>> -> memref<128xi32, #tpu.memory_space<vmem>>
      %dma_wait3A_207 = tpu.memref_slice %arg3[%add3A_202] : memref<160000xi32, #tpu.memory_space<hbm>> -> memref<128xi32, #tpu.memory_space<hbm>>
      %dma_wait3A_208 = arith.constant 0 : i32
      %dma_wait3A_209 = tpu.memref_slice %arg8[%dma_wait3A_203, %dma_wait3A_208] : memref<2x128xi32, #tpu.memory_space<vmem>> -> memref<1x128xi32, #tpu.memory_space<vmem>>
      %dma_wait3A_210 = tpu.memref_squeeze %dma_wait3A_209 : memref<1x128xi32, #tpu.memory_space<vmem>> -> memref<128xi32, #tpu.memory_space<vmem>>
      %dma_wait3A_211 = tpu.memref_slice %arg3[%add3A_202] : memref<160000xi32, #tpu.memory_space<hbm>> -> memref<128xi32, #tpu.memory_space<hbm>>
      tpu.wait_dma2 semaphore(%arg11 : memref<!tpu.dma_semaphore, #tpu.memory_space<semaphore_mem>>) src(%dma_wait3A_211 : memref<128xi32, #tpu.memory_space<hbm>>) dst(%dma_wait3A_210 : memref<128xi32, #tpu.memory_space<vmem>>)
      %mul3A_212 = arith.constant 128 : i32
      %mul3A_213 = arith.muli %add3A_199, %mul3A_212 : i32
      %add3A_214 = arith.addi %mul3A_2, %mul3A_213 : i32
      %dma_wait3A_215 = arith.constant 0 : i32
      %dma_wait3A_216 = arith.constant 0 : i32
      %dma_wait3A_217 = arith.constant 0 : i32
      %dma_wait3A_218 = tpu.memref_slice %arg9[%dma_wait3A_215, %dma_wait3A_216, %dma_wait3A_217] : memref<2x128x128xf32, #tpu.memory_space<vmem>> -> memref<1x128x128xf32, #tpu.memory_space<vmem>>
      %dma_wait3A_219 = tpu.memref_squeeze %dma_wait3A_218 : memref<1x128x128xf32, #tpu.memory_space<vmem>> -> memref<128x128xf32, #tpu.memory_space<vmem>>
      %dma_wait3A_220 = arith.constant 0 : i32
      %dma_wait3A_221 = tpu.memref_slice %arg2[%add3A_214, %dma_wait3A_220] : memref<160000x128xf32, #tpu.memory_space<hbm>> -> memref<128x128xf32, #tpu.memory_space<hbm>>
      %dma_wait3A_222 = arith.constant 0 : i32
      %dma_wait3A_223 = arith.constant 0 : i32
      %dma_wait3A_224 = tpu.memref_slice %arg9[%dma_wait3A_215, %dma_wait3A_222, %dma_wait3A_223] : memref<2x128x128xf32, #tpu.memory_space<vmem>> -> memref<1x128x128xf32, #tpu.memory_space<vmem>>
      %dma_wait3A_225 = tpu.memref_squeeze %dma_wait3A_224 : memref<1x128x128xf32, #tpu.memory_space<vmem>> -> memref<128x128xf32, #tpu.memory_space<vmem>>
      %dma_wait3A_226 = arith.constant 0 : i32
      %dma_wait3A_227 = tpu.memref_slice %arg2[%add3A_214, %dma_wait3A_226] : memref<160000x128xf32, #tpu.memory_space<hbm>> -> memref<128x128xf32, #tpu.memory_space<hbm>>
      tpu.wait_dma2 semaphore(%arg11 : memref<!tpu.dma_semaphore, #tpu.memory_space<semaphore_mem>>) src(%dma_wait3A_227 : memref<128x128xf32, #tpu.memory_space<hbm>>) dst(%dma_wait3A_225 : memref<128x128xf32, #tpu.memory_space<vmem>>)
      %dma_start3A_228 = arith.constant 0 : i32
      %dma_start3A_229 = arith.constant 0 : i32
      %dma_start3A_230 = arith.constant 0 : i32
      %dma_start3A_231 = arith.constant 0 : i32
      %dma_start3A_232 = tpu.memref_slice %arg9[%dma_start3A_228, %dma_start3A_230, %dma_start3A_231] : memref<2x128x128xf32, #tpu.memory_space<vmem>> -> memref<1x128x128xf32, #tpu.memory_space<vmem>>
      %dma_start3A_233 = tpu.memref_squeeze %dma_start3A_232 : memref<1x128x128xf32, #tpu.memory_space<vmem>> -> memref<128x128xf32, #tpu.memory_space<vmem>>
      %dma_start3A_234 = arith.constant 0 : i32
      %dma_start3A_235 = tpu.memref_slice %arg8[%dma_start3A_229, %dma_start3A_234] : memref<2x128xi32, #tpu.memory_space<vmem>> -> memref<1x128xi32, #tpu.memory_space<vmem>>
      %dma_start3A_236 = tpu.memref_squeeze %dma_start3A_235 : memref<1x128xi32, #tpu.memory_space<vmem>> -> memref<128xi32, #tpu.memory_space<vmem>>
      %dma_start3A_237 = arith.constant 0 : i32
      %dma_start3A_238 = arith.constant 0 : i32
      %dma_start3A_239 = tpu.memref_slice %arg10[%dma_start3A_237, %dma_start3A_238] : memref<10240x128xf32, #tpu.memory_space<vmem_shared>> -> memref<10240x128xf32, #tpu.memory_space<vmem_shared>>
      tpu.enqueue_indirect_dma source(%dma_start3A_233 : memref<128x128xf32, #tpu.memory_space<vmem>>) target(%dma_start3A_239 : memref<10240x128xf32, #tpu.memory_space<vmem_shared>>) offsets(%dma_start3A_236 : memref<128xi32, #tpu.memory_space<vmem>>) semaphore(%arg13 : memref<!tpu.dma_semaphore, #tpu.memory_space<semaphore_mem>>) {add = true}
      %dma_wait3A_240 = arith.constant 1 : i32
      %dma_wait3A_241 = arith.constant 1 : i32
      %dma_wait3A_242 = arith.constant 0 : i32
      %dma_wait3A_243 = arith.constant 0 : i32
      %dma_wait3A_244 = tpu.memref_slice %arg9[%dma_wait3A_240, %dma_wait3A_242, %dma_wait3A_243] : memref<2x128x128xf32, #tpu.memory_space<vmem>> -> memref<1x128x128xf32, #tpu.memory_space<vmem>>
      %dma_wait3A_245 = tpu.memref_squeeze %dma_wait3A_244 : memref<1x128x128xf32, #tpu.memory_space<vmem>> -> memref<128x128xf32, #tpu.memory_space<vmem>>
      %dma_wait3A_246 = arith.constant 0 : i32
      %dma_wait3A_247 = tpu.memref_slice %arg8[%dma_wait3A_241, %dma_wait3A_246] : memref<2x128xi32, #tpu.memory_space<vmem>> -> memref<1x128xi32, #tpu.memory_space<vmem>>
      %dma_wait3A_248 = tpu.memref_squeeze %dma_wait3A_247 : memref<1x128xi32, #tpu.memory_space<vmem>> -> memref<128xi32, #tpu.memory_space<vmem>>
      %dma_wait3A_249 = arith.constant 0 : i32
      %dma_wait3A_250 = arith.constant 0 : i32
      %dma_wait3A_251 = tpu.memref_slice %arg10[%dma_wait3A_249, %dma_wait3A_250] : memref<10240x128xf32, #tpu.memory_space<vmem_shared>> -> memref<10240x128xf32, #tpu.memory_space<vmem_shared>>
      tpu.wait_indirect_dma semaphore(%arg14 : memref<!tpu.dma_semaphore, #tpu.memory_space<semaphore_mem>>) src(%dma_wait3A_245 : memref<128x128xf32, #tpu.memory_space<vmem>>) dst(%dma_wait3A_251 : memref<10240x128xf32, #tpu.memory_space<vmem_shared>>)
      %add3A_252 = arith.constant 1 : i32
      %add3A_253 = arith.addi %add3A_199, %add3A_252 : i32
      %lt3A_254 = arith.constant 39 : i32
      %lt3A_255 = arith.cmpi slt, %add3A_253, %lt3A_254 : i32
      %convert_element_type3A_256 = arith.extui %lt3A_255 : i1 to i32
      %cond3A_257 = arith.constant 0 : i32
      %cond3A_258 = arith.cmpi ne, %convert_element_type3A_256, %cond3A_257 : i32
      scf.if %cond3A_258 {
        %add3A_259 = arith.constant 1 : i32
        %add3A_260 = arith.addi %add3A_199, %add3A_259 : i32
        %mul3A_261 = arith.constant 128 : i32
        %mul3A_262 = arith.muli %add3A_260, %mul3A_261 : i32
        %add3A_263 = arith.addi %mul3A_2, %mul3A_262 : i32
        %dma_start3A_264 = arith.constant 1 : i32
        %dma_start3A_265 = arith.constant 0 : i32
        %dma_start3A_266 = tpu.memref_slice %arg8[%dma_start3A_264, %dma_start3A_265] : memref<2x128xi32, #tpu.memory_space<vmem>> -> memref<1x128xi32, #tpu.memory_space<vmem>>
        %dma_start3A_267 = tpu.memref_squeeze %dma_start3A_266 : memref<1x128xi32, #tpu.memory_space<vmem>> -> memref<128xi32, #tpu.memory_space<vmem>>
        %dma_start3A_268 = tpu.memref_slice %arg3[%add3A_263] : memref<160000xi32, #tpu.memory_space<hbm>> -> memref<128xi32, #tpu.memory_space<hbm>>
        %dma_start3A_269 = arith.constant 0 : i32
        %dma_start3A_270 = tpu.memref_slice %arg8[%dma_start3A_264, %dma_start3A_269] : memref<2x128xi32, #tpu.memory_space<vmem>> -> memref<1x128xi32, #tpu.memory_space<vmem>>
        %dma_start3A_271 = tpu.memref_squeeze %dma_start3A_270 : memref<1x128xi32, #tpu.memory_space<vmem>> -> memref<128xi32, #tpu.memory_space<vmem>>
        %dma_start3A_272 = tpu.memref_slice %arg3[%add3A_263] : memref<160000xi32, #tpu.memory_space<hbm>> -> memref<128xi32, #tpu.memory_space<hbm>>
        tpu.enqueue_dma source(%dma_start3A_272 : memref<128xi32, #tpu.memory_space<hbm>>) target(%dma_start3A_271 : memref<128xi32, #tpu.memory_space<vmem>>) target_semaphore(%arg12 : memref<!tpu.dma_semaphore, #tpu.memory_space<semaphore_mem>>)
        %mul3A_273 = arith.constant 128 : i32
        %mul3A_274 = arith.muli %add3A_260, %mul3A_273 : i32
        %add3A_275 = arith.addi %mul3A_2, %mul3A_274 : i32
        %dma_start3A_276 = arith.constant 1 : i32
        %dma_start3A_277 = arith.constant 0 : i32
        %dma_start3A_278 = arith.constant 0 : i32
        %dma_start3A_279 = tpu.memref_slice %arg9[%dma_start3A_276, %dma_start3A_277, %dma_start3A_278] : memref<2x128x128xf32, #tpu.memory_space<vmem>> -> memref<1x128x128xf32, #tpu.memory_space<vmem>>
        %dma_start3A_280 = tpu.memref_squeeze %dma_start3A_279 : memref<1x128x128xf32, #tpu.memory_space<vmem>> -> memref<128x128xf32, #tpu.memory_space<vmem>>
        %dma_start3A_281 = arith.constant 0 : i32
        %dma_start3A_282 = tpu.memref_slice %arg2[%add3A_275, %dma_start3A_281] : memref<160000x128xf32, #tpu.memory_space<hbm>> -> memref<128x128xf32, #tpu.memory_space<hbm>>
        %dma_start3A_283 = arith.constant 0 : i32
        %dma_start3A_284 = arith.constant 0 : i32
        %dma_start3A_285 = tpu.memref_slice %arg9[%dma_start3A_276, %dma_start3A_283, %dma_start3A_284] : memref<2x128x128xf32, #tpu.memory_space<vmem>> -> memref<1x128x128xf32, #tpu.memory_space<vmem>>
        %dma_start3A_286 = tpu.memref_squeeze %dma_start3A_285 : memref<1x128x128xf32, #tpu.memory_space<vmem>> -> memref<128x128xf32, #tpu.memory_space<vmem>>
        %dma_start3A_287 = arith.constant 0 : i32
        %dma_start3A_288 = tpu.memref_slice %arg2[%add3A_275, %dma_start3A_287] : memref<160000x128xf32, #tpu.memory_space<hbm>> -> memref<128x128xf32, #tpu.memory_space<hbm>>
        tpu.enqueue_dma source(%dma_start3A_288 : memref<128x128xf32, #tpu.memory_space<hbm>>) target(%dma_start3A_286 : memref<128x128xf32, #tpu.memory_space<vmem>>) target_semaphore(%arg12 : memref<!tpu.dma_semaphore, #tpu.memory_space<semaphore_mem>>)
      } else {
      }
    }
    %scan3A_104 = arith.constant 19 : i32
    %dma_wait3A_105 = arith.constant 0 : i32
    %dma_wait3A_106 = arith.constant 0 : i32
    %dma_wait3A_107 = arith.constant 0 : i32
    %dma_wait3A_108 = arith.constant 0 : i32
    %dma_wait3A_109 = tpu.memref_slice %arg9[%dma_wait3A_105, %dma_wait3A_107, %dma_wait3A_108] : memref<2x128x128xf32, #tpu.memory_space<vmem>> -> memref<1x128x128xf32, #tpu.memory_space<vmem>>
    %dma_wait3A_110 = tpu.memref_squeeze %dma_wait3A_109 : memref<1x128x128xf32, #tpu.memory_space<vmem>> -> memref<128x128xf32, #tpu.memory_space<vmem>>
    %dma_wait3A_111 = arith.constant 0 : i32
    %dma_wait3A_112 = tpu.memref_slice %arg8[%dma_wait3A_106, %dma_wait3A_111] : memref<2x128xi32, #tpu.memory_space<vmem>> -> memref<1x128xi32, #tpu.memory_space<vmem>>
    %dma_wait3A_113 = tpu.memref_squeeze %dma_wait3A_112 : memref<1x128xi32, #tpu.memory_space<vmem>> -> memref<128xi32, #tpu.memory_space<vmem>>
    %dma_wait3A_114 = arith.constant 0 : i32
    %dma_wait3A_115 = arith.constant 0 : i32
    %dma_wait3A_116 = tpu.memref_slice %arg10[%dma_wait3A_114, %dma_wait3A_115] : memref<10240x128xf32, #tpu.memory_space<vmem_shared>> -> memref<10240x128xf32, #tpu.memory_space<vmem_shared>>
    tpu.wait_indirect_dma semaphore(%arg13 : memref<!tpu.dma_semaphore, #tpu.memory_space<semaphore_mem>>) src(%dma_wait3A_110 : memref<128x128xf32, #tpu.memory_space<vmem>>) dst(%dma_wait3A_116 : memref<10240x128xf32, #tpu.memory_space<vmem_shared>>)
    %add3A_117 = arith.constant 4992 : i32
    %add3A_118 = arith.addi %mul3A_2, %add3A_117 : i32
    %add3A_119 = arith.constant 4992 : i32
    %add3A_120 = arith.addi %mul3A_2, %add3A_119 : i32
    %run_scoped3A = arith.constant 0 : i32
    "tpu.region"() ({
      %run_scoped3A_133 = tpu.sem_alloc : memref<!tpu.dma_semaphore, #tpu.memory_space<semaphore_mem>>
      %dma_start3A_134 = arith.constant 0 : i32
      %dma_start3A_135 = tpu.memref_slice %arg15[%run_scoped3A, %dma_start3A_134] : memref<1x8xi32, #tpu.memory_space<vmem>> -> memref<1x8xi32, #tpu.memory_space<vmem>>
      %dma_start3A_136 = tpu.memref_squeeze %dma_start3A_135 : memref<1x8xi32, #tpu.memory_space<vmem>> -> memref<8xi32, #tpu.memory_space<vmem>>
      %dma_start3A_137 = tpu.memref_slice %arg3[%add3A_118] : memref<160000xi32, #tpu.memory_space<hbm>> -> memref<8xi32, #tpu.memory_space<hbm>>
      %dma_start3A_138 = arith.constant 0 : i32
      %dma_start3A_139 = tpu.memref_slice %arg15[%run_scoped3A, %dma_start3A_138] : memref<1x8xi32, #tpu.memory_space<vmem>> -> memref<1x8xi32, #tpu.memory_space<vmem>>
      %dma_start3A_140 = tpu.memref_squeeze %dma_start3A_139 : memref<1x8xi32, #tpu.memory_space<vmem>> -> memref<8xi32, #tpu.memory_space<vmem>>
      %dma_start3A_141 = tpu.memref_slice %arg3[%add3A_118] : memref<160000xi32, #tpu.memory_space<hbm>> -> memref<8xi32, #tpu.memory_space<hbm>>
      tpu.enqueue_dma source(%dma_start3A_141 : memref<8xi32, #tpu.memory_space<hbm>>) target(%dma_start3A_140 : memref<8xi32, #tpu.memory_space<vmem>>) target_semaphore(%run_scoped3A_133 : memref<!tpu.dma_semaphore, #tpu.memory_space<semaphore_mem>>)
      %dma_wait3A_142 = arith.constant 0 : i32
      %dma_wait3A_143 = tpu.memref_slice %arg15[%run_scoped3A, %dma_wait3A_142] : memref<1x8xi32, #tpu.memory_space<vmem>> -> memref<1x8xi32, #tpu.memory_space<vmem>>
      %dma_wait3A_144 = tpu.memref_squeeze %dma_wait3A_143 : memref<1x8xi32, #tpu.memory_space<vmem>> -> memref<8xi32, #tpu.memory_space<vmem>>
      %dma_wait3A_145 = tpu.memref_slice %arg3[%add3A_118] : memref<160000xi32, #tpu.memory_space<hbm>> -> memref<8xi32, #tpu.memory_space<hbm>>
      %dma_wait3A_146 = arith.constant 0 : i32
      %dma_wait3A_147 = tpu.memref_slice %arg15[%run_scoped3A, %dma_wait3A_146] : memref<1x8xi32, #tpu.memory_space<vmem>> -> memref<1x8xi32, #tpu.memory_space<vmem>>
      %dma_wait3A_148 = tpu.memref_squeeze %dma_wait3A_147 : memref<1x8xi32, #tpu.memory_space<vmem>> -> memref<8xi32, #tpu.memory_space<vmem>>
      %dma_wait3A_149 = tpu.memref_slice %arg3[%add3A_118] : memref<160000xi32, #tpu.memory_space<hbm>> -> memref<8xi32, #tpu.memory_space<hbm>>
      tpu.wait_dma2 semaphore(%run_scoped3A_133 : memref<!tpu.dma_semaphore, #tpu.memory_space<semaphore_mem>>) src(%dma_wait3A_149 : memref<8xi32, #tpu.memory_space<hbm>>) dst(%dma_wait3A_148 : memref<8xi32, #tpu.memory_space<vmem>>)
      tpu.yield
    }) : () -> ()
    "tpu.region"() ({
      %run_scoped3A_133 = tpu.sem_alloc : memref<!tpu.dma_semaphore, #tpu.memory_space<semaphore_mem>>
      %dma_start3A_134 = arith.constant 0 : i32
      %dma_start3A_135 = tpu.memref_slice %arg2[%add3A_120, %dma_start3A_134] : memref<160000x128xf32, #tpu.memory_space<hbm>> -> memref<8x128xf32, #tpu.memory_space<hbm>>
      %dma_start3A_136 = arith.constant 0 : i32
      %dma_start3A_137 = tpu.memref_slice %arg2[%add3A_120, %dma_start3A_136] : memref<160000x128xf32, #tpu.memory_space<hbm>> -> memref<8x128xf32, #tpu.memory_space<hbm>>
      tpu.enqueue_dma source(%dma_start3A_137 : memref<8x128xf32, #tpu.memory_space<hbm>>) target(%arg16 : memref<8x128xf32, #tpu.memory_space<vmem>>) target_semaphore(%run_scoped3A_133 : memref<!tpu.dma_semaphore, #tpu.memory_space<semaphore_mem>>)
      %dma_wait3A_138 = arith.constant 0 : i32
      %dma_wait3A_139 = tpu.memref_slice %arg2[%add3A_120, %dma_wait3A_138] : memref<160000x128xf32, #tpu.memory_space<hbm>> -> memref<8x128xf32, #tpu.memory_space<hbm>>
      %dma_wait3A_140 = arith.constant 0 : i32
      %dma_wait3A_141 = tpu.memref_slice %arg2[%add3A_120, %dma_wait3A_140] : memref<160000x128xf32, #tpu.memory_space<hbm>> -> memref<8x128xf32, #tpu.memory_space<hbm>>
      tpu.wait_dma2 semaphore(%run_scoped3A_133 : memref<!tpu.dma_semaphore, #tpu.memory_space<semaphore_mem>>) src(%dma_wait3A_141 : memref<8x128xf32, #tpu.memory_space<hbm>>) dst(%arg16 : memref<8x128xf32, #tpu.memory_space<vmem>>)
      tpu.yield
    }) : () -> ()
    %run_scoped3A_121 = arith.constant 0 : i32
    "tpu.region"() ({
      %run_scoped3A_133 = tpu.sem_alloc : memref<!tpu.dma_semaphore, #tpu.memory_space<semaphore_mem>>
      %dma_start3A_134 = arith.constant 0 : i32
      %dma_start3A_135 = tpu.memref_slice %arg15[%run_scoped3A_121, %dma_start3A_134] : memref<1x8xi32, #tpu.memory_space<vmem>> -> memref<1x8xi32, #tpu.memory_space<vmem>>
      %dma_start3A_136 = tpu.memref_squeeze %dma_start3A_135 : memref<1x8xi32, #tpu.memory_space<vmem>> -> memref<8xi32, #tpu.memory_space<vmem>>
      %dma_start3A_137 = arith.constant 0 : i32
      %dma_start3A_138 = arith.constant 0 : i32
      %dma_start3A_139 = tpu.memref_slice %arg10[%dma_start3A_137, %dma_start3A_138] : memref<10240x128xf32, #tpu.memory_space<vmem_shared>> -> memref<10240x128xf32, #tpu.memory_space<vmem_shared>>
      tpu.enqueue_indirect_dma source(%arg16 : memref<8x128xf32, #tpu.memory_space<vmem>>) target(%dma_start3A_139 : memref<10240x128xf32, #tpu.memory_space<vmem_shared>>) offsets(%dma_start3A_136 : memref<8xi32, #tpu.memory_space<vmem>>) semaphore(%run_scoped3A_133 : memref<!tpu.dma_semaphore, #tpu.memory_space<semaphore_mem>>) {add = true}
      %dma_wait3A_140 = arith.constant 0 : i32
      %dma_wait3A_141 = tpu.memref_slice %arg15[%run_scoped3A_121, %dma_wait3A_140] : memref<1x8xi32, #tpu.memory_space<vmem>> -> memref<1x8xi32, #tpu.memory_space<vmem>>
      %dma_wait3A_142 = tpu.memref_squeeze %dma_wait3A_141 : memref<1x8xi32, #tpu.memory_space<vmem>> -> memref<8xi32, #tpu.memory_space<vmem>>
      %dma_wait3A_143 = arith.constant 0 : i32
      %dma_wait3A_144 = arith.constant 0 : i32
      %dma_wait3A_145 = tpu.memref_slice %arg10[%dma_wait3A_143, %dma_wait3A_144] : memref<10240x128xf32, #tpu.memory_space<vmem_shared>> -> memref<10240x128xf32, #tpu.memory_space<vmem_shared>>
      tpu.wait_indirect_dma semaphore(%run_scoped3A_133 : memref<!tpu.dma_semaphore, #tpu.memory_space<semaphore_mem>>) src(%arg16 : memref<8x128xf32, #tpu.memory_space<vmem>>) dst(%dma_wait3A_145 : memref<10240x128xf32, #tpu.memory_space<vmem_shared>>)
      tpu.yield
    }) : () -> ()
    %barrier3A_122 = arith.constant 0 : index
    tpu.barrier barrier_id(%barrier3A_122)
    %eq3A_123 = arith.constant 0 : i32
    %eq3A_124 = arith.cmpi eq, %arg0, %eq3A_123 : i32
    %convert_element_type3A_125 = arith.extui %eq3A_124 : i1 to i32
    %cond3A_126 = arith.constant 0 : i32
    %cond3A_127 = arith.cmpi ne, %convert_element_type3A_125, %cond3A_126 : i32
    scf.if %cond3A_127 {
      "tpu.region"() ({
        %run_scoped3A_133 = tpu.sem_alloc : memref<!tpu.dma_semaphore, #tpu.memory_space<semaphore_mem>>
        %dma_start3A_134 = arith.constant 0 : i32
        %dma_start3A_135 = tpu.memref_slice %arg6[%mul3A_4, %dma_start3A_134] : memref<10240x128xf32, #tpu.memory_space<hbm>> -> memref<640x128xf32, #tpu.memory_space<hbm>>
        %dma_start3A_136 = arith.constant 0 : i32
        %dma_start3A_137 = tpu.memref_slice %arg10[%mul3A_4, %dma_start3A_136] : memref<10240x128xf32, #tpu.memory_space<vmem_shared>> -> memref<640x128xf32, #tpu.memory_space<vmem_shared>>
        tpu.enqueue_dma source(%dma_start3A_137 : memref<640x128xf32, #tpu.memory_space<vmem_shared>>) target(%dma_start3A_135 : memref<640x128xf32, #tpu.memory_space<hbm>>) target_semaphore(%run_scoped3A_133 : memref<!tpu.dma_semaphore, #tpu.memory_space<semaphore_mem>>)
        %dma_wait3A_138 = arith.constant 0 : i32
        %dma_wait3A_139 = tpu.memref_slice %arg6[%mul3A_4, %dma_wait3A_138] : memref<10240x128xf32, #tpu.memory_space<hbm>> -> memref<640x128xf32, #tpu.memory_space<hbm>>
        %dma_wait3A_140 = arith.constant 0 : i32
        %dma_wait3A_141 = tpu.memref_slice %arg10[%mul3A_4, %dma_wait3A_140] : memref<10240x128xf32, #tpu.memory_space<vmem_shared>> -> memref<640x128xf32, #tpu.memory_space<vmem_shared>>
        tpu.wait_dma2 semaphore(%run_scoped3A_133 : memref<!tpu.dma_semaphore, #tpu.memory_space<semaphore_mem>>) src(%dma_wait3A_141 : memref<640x128xf32, #tpu.memory_space<vmem_shared>>) dst(%dma_wait3A_139 : memref<640x128xf32, #tpu.memory_space<hbm>>)
        tpu.yield
      }) : () -> ()
    } else {
    }
    %eq3A_128 = arith.constant 1 : i32
    %eq3A_129 = arith.cmpi eq, %arg0, %eq3A_128 : i32
    %convert_element_type3A_130 = arith.extui %eq3A_129 : i1 to i32
    %cond3A_131 = arith.constant 0 : i32
    %cond3A_132 = arith.cmpi ne, %convert_element_type3A_130, %cond3A_131 : i32
    scf.if %cond3A_132 {
      "tpu.region"() ({
        %run_scoped3A_133 = tpu.sem_alloc : memref<!tpu.dma_semaphore, #tpu.memory_space<semaphore_mem>>
        %dma_start3A_134 = arith.constant 0 : i32
        %dma_start3A_135 = tpu.memref_slice %arg7[%mul3A_4, %dma_start3A_134] : memref<10240x128xf32, #tpu.memory_space<hbm>> -> memref<640x128xf32, #tpu.memory_space<hbm>>
        %dma_start3A_136 = arith.constant 0 : i32
        %dma_start3A_137 = tpu.memref_slice %arg10[%mul3A_4, %dma_start3A_136] : memref<10240x128xf32, #tpu.memory_space<vmem_shared>> -> memref<640x128xf32, #tpu.memory_space<vmem_shared>>
        tpu.enqueue_dma source(%dma_start3A_137 : memref<640x128xf32, #tpu.memory_space<vmem_shared>>) target(%dma_start3A_135 : memref<640x128xf32, #tpu.memory_space<hbm>>) target_semaphore(%run_scoped3A_133 : memref<!tpu.dma_semaphore, #tpu.memory_space<semaphore_mem>>)
        %dma_wait3A_138 = arith.constant 0 : i32
        %dma_wait3A_139 = tpu.memref_slice %arg7[%mul3A_4, %dma_wait3A_138] : memref<10240x128xf32, #tpu.memory_space<hbm>> -> memref<640x128xf32, #tpu.memory_space<hbm>>
        %dma_wait3A_140 = arith.constant 0 : i32
        %dma_wait3A_141 = tpu.memref_slice %arg10[%mul3A_4, %dma_wait3A_140] : memref<10240x128xf32, #tpu.memory_space<vmem_shared>> -> memref<640x128xf32, #tpu.memory_space<vmem_shared>>
        tpu.wait_dma2 semaphore(%run_scoped3A_133 : memref<!tpu.dma_semaphore, #tpu.memory_space<semaphore_mem>>) src(%dma_wait3A_141 : memref<640x128xf32, #tpu.memory_space<vmem_shared>>) dst(%dma_wait3A_139 : memref<640x128xf32, #tpu.memory_space<hbm>>)
        tpu.yield
      }) : () -> ()
    } else {
    }
    return
  }
}

module attributes {stable_mosaic.version = 14 : i64} {
  func.func @_msg_body(%arg0: i32, %arg1: memref<16x3200xf32, #tpu.memory_space<vmem>>, %arg2: memref<3200x128xf32, #tpu.memory_space<vmem>>, %arg3: memref<16x128xf32, #tpu.memory_space<vmem>>, %arg4: memref<3200x128xf32, #tpu.memory_space<vmem>>) attributes {dimension_semantics = [#tpu.dimension_semantics<arbitrary>], iteration_bounds = array<i64: 50>, scalar_prefetch = 0 : i64, scratch_operands = 0 : i64, tpu.core_type = #tpu.core_type<tc>, window_params = [{transform_indices = @transform_0, window_bounds = array<i64: 16, 3200>}, {transform_indices = @transform_1, window_bounds = array<i64: 3200, 128>}, {pipeline_mode = #tpu.pipeline_mode<synchronous>, transform_indices = @transform_2, window_bounds = array<i64: 16, 128>}, {transform_indices = @transform_3, window_bounds = array<i64: 3200, 128>}]} {
    %get3A = arith.constant 0 : index
    %get3A_0 = arith.constant 0 : index
    %get3A_1 = vector.load %arg1[%get3A, %get3A_0] : memref<16x3200xf32, #tpu.memory_space<vmem>>, vector<16x3200xf32>
    %get3A_2 = arith.constant 0 : index
    %get3A_3 = arith.constant 0 : index
    %get3A_4 = vector.load %arg3[%get3A_2, %get3A_3] : memref<16x128xf32, #tpu.memory_space<vmem>>, vector<16x128xf32>
    %dot_general3A = arith.constant dense<0.000000e+00> : vector<3200x128xf32>
    %dot_general3A_5 = tpu.matmul %get3A_1, %get3A_4, %dot_general3A {dimension_numbers = #tpu.dot_dimension_numbers<[0], [0], [1], [1], [0, 1, 1, 1], [], []>, transpose_lhs_hint = false} : vector<16x3200xf32>, vector<16x128xf32>, vector<3200x128xf32> -> vector<3200x128xf32>
    %get3A_6 = arith.constant 0 : index
    %get3A_7 = arith.constant 0 : index
    %get3A_8 = vector.load %arg2[%get3A_6, %get3A_7] : memref<3200x128xf32, #tpu.memory_space<vmem>>, vector<3200x128xf32>
    %mul3A = arith.mulf %dot_general3A_5, %get3A_8 : vector<3200x128xf32>
    %swap3A = arith.constant 0 : index
    %swap3A_9 = arith.constant 0 : index
    %swap3A_10 = vector.load %arg4[%swap3A, %swap3A_9] : memref<3200x128xf32, #tpu.memory_space<vmem>>, vector<3200x128xf32>
    tpu.vector_store %arg4[%swap3A, %swap3A_9], %mul3A {strides = array<i32>} : memref<3200x128xf32, #tpu.memory_space<vmem>>, vector<3200x128xf32>,
    return
  }
  func.func @transform_0(%arg0: i32) -> (i32, i32) {
    %add3A = arith.constant 0 : i32
    %add3A_0 = arith.addi %arg0, %add3A : i32
    %c0_i32 = arith.constant 0 : i32
    %c0_i32_1 = arith.constant 0 : i32
    return %c0_i32, %add3A_0 : i32, i32
  }
  func.func @transform_1(%arg0: i32) -> (i32, i32) {
    %add3A = arith.constant 0 : i32
    %add3A_0 = arith.addi %arg0, %add3A : i32
    %c0_i32 = arith.constant 0 : i32
    %c0_i32_1 = arith.constant 0 : i32
    return %add3A_0, %c0_i32 : i32, i32
  }
  func.func @transform_2(%arg0: i32) -> (i32, i32) {
    %c0_i32 = arith.constant 0 : i32
    %c0_i32_0 = arith.constant 0 : i32
    %c0_i32_1 = arith.constant 0 : i32
    return %c0_i32, %c0_i32_0 : i32, i32
  }
  func.func @transform_3(%arg0: i32) -> (i32, i32) {
    %c0_i32 = arith.constant 0 : i32
    %c0_i32_0 = arith.constant 0 : i32
    return %arg0, %c0_i32 : i32, i32
  }
}

module attributes {stable_mosaic.version = 14 : i64} {
  func.func @_msg_body(%arg0: i32, %arg1: memref<16x3200xf32, #tpu.memory_space<vmem>>, %arg2: memref<3200x128xf32, #tpu.memory_space<vmem>>, %arg3: memref<16x128xf32, #tpu.memory_space<vmem>>, %arg4: memref<3200x128xf32, #tpu.memory_space<vmem>>) attributes {dimension_semantics = [#tpu.dimension_semantics<arbitrary>], iteration_bounds = array<i64: 50>, scalar_prefetch = 0 : i64, scratch_operands = 0 : i64, tpu.core_type = #tpu.core_type<tc>, window_params = [{transform_indices = @transform_0, window_bounds = array<i64: 16, 3200>}, {transform_indices = @transform_1, window_bounds = array<i64: 3200, 128>}, {pipeline_mode = #tpu.pipeline_mode<synchronous>, transform_indices = @transform_2, window_bounds = array<i64: 16, 128>}, {transform_indices = @transform_3, window_bounds = array<i64: 3200, 128>}]} {
    %get3A = arith.constant 0 : index
    %get3A_0 = arith.constant 0 : index
    %get3A_1 = vector.load %arg1[%get3A, %get3A_0] : memref<16x3200xf32, #tpu.memory_space<vmem>>, vector<16x3200xf32>
    %get3A_2 = arith.constant 0 : index
    %get3A_3 = arith.constant 0 : index
    %get3A_4 = vector.load %arg3[%get3A_2, %get3A_3] : memref<16x128xf32, #tpu.memory_space<vmem>>, vector<16x128xf32>
    %dot_general3A = arith.constant dense<0.000000e+00> : vector<3200x128xf32>
    %dot_general3A_5 = tpu.matmul %get3A_1, %get3A_4, %dot_general3A {dimension_numbers = #tpu.dot_dimension_numbers<[0], [0], [1], [1], [0, 1, 1, 1], [], []>, transpose_lhs_hint = false} : vector<16x3200xf32>, vector<16x128xf32>, vector<3200x128xf32> -> vector<3200x128xf32>
    %get3A_6 = arith.constant 0 : index
    %get3A_7 = arith.constant 0 : index
    %get3A_8 = vector.load %arg2[%get3A_6, %get3A_7] : memref<3200x128xf32, #tpu.memory_space<vmem>>, vector<3200x128xf32>
    %mul3A = arith.mulf %dot_general3A_5, %get3A_8 : vector<3200x128xf32>
    %swap3A = arith.constant 0 : index
    %swap3A_9 = arith.constant 0 : index
    %swap3A_10 = vector.load %arg4[%swap3A, %swap3A_9] : memref<3200x128xf32, #tpu.memory_space<vmem>>, vector<3200x128xf32>
    tpu.vector_store %arg4[%swap3A, %swap3A_9], %mul3A {strides = array<i32>} : memref<3200x128xf32, #tpu.memory_space<vmem>>, vector<3200x128xf32>,
    return
  }
  func.func @transform_0(%arg0: i32) -> (i32, i32) {
    %add3A = arith.constant 50 : i32
    %add3A_0 = arith.addi %arg0, %add3A : i32
    %c0_i32 = arith.constant 0 : i32
    %c0_i32_1 = arith.constant 0 : i32
    return %c0_i32, %add3A_0 : i32, i32
  }
  func.func @transform_1(%arg0: i32) -> (i32, i32) {
    %add3A = arith.constant 50 : i32
    %add3A_0 = arith.addi %arg0, %add3A : i32
    %c0_i32 = arith.constant 0 : i32
    %c0_i32_1 = arith.constant 0 : i32
    return %add3A_0, %c0_i32 : i32, i32
  }
  func.func @transform_2(%arg0: i32) -> (i32, i32) {
    %c0_i32 = arith.constant 0 : i32
    %c0_i32_0 = arith.constant 0 : i32
    %c0_i32_1 = arith.constant 0 : i32
    return %c0_i32, %c0_i32_0 : i32, i32
  }
  func.func @transform_3(%arg0: i32) -> (i32, i32) {
    %c0_i32 = arith.constant 0 : i32
    %c0_i32_0 = arith.constant 0 : i32
    return %arg0, %c0_i32 : i32, i32
  }
}

module attributes {stable_mosaic.version = 14 : i64} {
  func.func @_mlp_body(%arg0: i32, %arg1: memref<1024x128xf32, #tpu.memory_space<vmem>>, %arg2: memref<1024x128xf32, #tpu.memory_space<vmem>>, %arg3: memref<128x128xf32, #tpu.memory_space<vmem>>, %arg4: memref<1x128xf32, #tpu.memory_space<vmem>>, %arg5: memref<128x128xf32, #tpu.memory_space<vmem>>, %arg6: memref<1x128xf32, #tpu.memory_space<vmem>>, %arg7: memref<128x128xf32, #tpu.memory_space<vmem>>, %arg8: memref<1x128xf32, #tpu.memory_space<vmem>>, %arg9: memref<1x128xf32, #tpu.memory_space<vmem>>, %arg10: memref<1x1024xf32, #tpu.memory_space<vmem>>) attributes {dimension_semantics = [#tpu.dimension_semantics<arbitrary>], iteration_bounds = array<i64: 10>, scalar_prefetch = 0 : i64, scratch_operands = 0 : i64, tpu.core_type = #tpu.core_type<tc>, window_params = [{transform_indices = @transform_0, window_bounds = array<i64: 1024, 128>}, {transform_indices = @transform_1, window_bounds = array<i64: 1024, 128>}, {pipeline_mode = #tpu.pipeline_mode<synchronous>, transform_indices = @transform_2, window_bounds = array<i64: 128, 128>}, {pipeline_mode = #tpu.pipeline_mode<synchronous>, transform_indices = @transform_3, window_bounds = array<i64: 1, 128>}, {pipeline_mode = #tpu.pipeline_mode<synchronous>, transform_indices = @transform_4, window_bounds = array<i64: 128, 128>}, {pipeline_mode = #tpu.pipeline_mode<synchronous>, transform_indices = @transform_5, window_bounds = array<i64: 1, 128>}, {pipeline_mode = #tpu.pipeline_mode<synchronous>, transform_indices = @transform_6, window_bounds = array<i64: 128, 128>}, {pipeline_mode = #tpu.pipeline_mode<synchronous>, transform_indices = @transform_7, window_bounds = array<i64: 1, 128>}, {pipeline_mode = #tpu.pipeline_mode<synchronous>, transform_indices = @transform_8, window_bounds = array<i64: 1, 128>}, {transform_indices = @transform_9, window_bounds = array<i64: 1, 1024>}]} {
    %get3A = arith.constant 0 : index
    %get3A_0 = arith.constant 0 : index
    %get3A_1 = vector.load %arg1[%get3A, %get3A_0] : memref<1024x128xf32, #tpu.memory_space<vmem>>, vector<1024x128xf32>
    %get3A_2 = arith.constant 0 : index
    %get3A_3 = arith.constant 0 : index
    %get3A_4 = vector.load %arg2[%get3A_2, %get3A_3] : memref<1024x128xf32, #tpu.memory_space<vmem>>, vector<1024x128xf32>
    %add3A = arith.addf %get3A_1, %get3A_4 : vector<1024x128xf32>
    %get3A_5 = arith.constant 0 : index
    %get3A_6 = arith.constant 0 : index
    %get3A_7 = vector.load %arg3[%get3A_5, %get3A_6] : memref<128x128xf32, #tpu.memory_space<vmem>>, vector<128x128xf32>
    %dot_general3A = arith.constant dense<0.000000e+00> : vector<1024x128xf32>
    %dot_general3A_8 = tpu.matmul %add3A, %get3A_7, %dot_general3A {dimension_numbers = #tpu.dot_dimension_numbers<[1], [0], [0], [1], [0, 0, 1, 1], [], []>, transpose_lhs_hint = false} : vector<1024x128xf32>, vector<128x128xf32>, vector<1024x128xf32> -> vector<1024x128xf32>
    %get3A_9 = arith.constant 0 : index
    %get3A_10 = arith.constant 0 : index
    %get3A_11 = vector.load %arg4[%get3A_9, %get3A_10] : memref<1x128xf32, #tpu.memory_space<vmem>>, vector<1x128xf32>
    %add3A_12 = vector.broadcast %get3A_11 : vector<1x128xf32> to vector<1024x128xf32>
    %add3A_13 = arith.addf %dot_general3A_8, %add3A_12 : vector<1024x128xf32>
    %logistic3A = arith.negf %add3A_13 : vector<1024x128xf32>
    %logistic3A_14 = math.exp %logistic3A : vector<1024x128xf32>
    %logistic3A_15 = arith.constant 1.000000e+00 : f32
    %logistic3A_16 = vector.broadcast %logistic3A_15 : f32 to vector<1024x128xf32>
    %logistic3A_17 = arith.addf %logistic3A_16, %logistic3A_14 : vector<1024x128xf32>
    %logistic3A_18 = arith.divf %logistic3A_16, %logistic3A_17 : vector<1024x128xf32>
    %mul3A = arith.mulf %add3A_13, %logistic3A_18 : vector<1024x128xf32>
    %get3A_19 = arith.constant 0 : index
    %get3A_20 = arith.constant 0 : index
    %get3A_21 = vector.load %arg5[%get3A_19, %get3A_20] : memref<128x128xf32, #tpu.memory_space<vmem>>, vector<128x128xf32>
    %dot_general3A_22 = arith.constant dense<0.000000e+00> : vector<1024x128xf32>
    %dot_general3A_23 = tpu.matmul %mul3A, %get3A_21, %dot_general3A_22 {dimension_numbers = #tpu.dot_dimension_numbers<[1], [0], [0], [1], [0, 0, 1, 1], [], []>, transpose_lhs_hint = false} : vector<1024x128xf32>, vector<128x128xf32>, vector<1024x128xf32> -> vector<1024x128xf32>
    %get3A_24 = arith.constant 0 : index
    %get3A_25 = arith.constant 0 : index
    %get3A_26 = vector.load %arg6[%get3A_24, %get3A_25] : memref<1x128xf32, #tpu.memory_space<vmem>>, vector<1x128xf32>
    %add3A_27 = vector.broadcast %get3A_26 : vector<1x128xf32> to vector<1024x128xf32>
    %add3A_28 = arith.addf %dot_general3A_23, %add3A_27 : vector<1024x128xf32>
    %logistic3A_29 = arith.negf %add3A_28 : vector<1024x128xf32>
    %logistic3A_30 = math.exp %logistic3A_29 : vector<1024x128xf32>
    %logistic3A_31 = arith.constant 1.000000e+00 : f32
    %logistic3A_32 = vector.broadcast %logistic3A_31 : f32 to vector<1024x128xf32>
    %logistic3A_33 = arith.addf %logistic3A_32, %logistic3A_30 : vector<1024x128xf32>
    %logistic3A_34 = arith.divf %logistic3A_32, %logistic3A_33 : vector<1024x128xf32>
    %mul3A_35 = arith.mulf %add3A_28, %logistic3A_34 : vector<1024x128xf32>
    %get3A_36 = arith.constant 0 : index
    %get3A_37 = arith.constant 0 : index
    %get3A_38 = vector.load %arg7[%get3A_36, %get3A_37] : memref<128x128xf32, #tpu.memory_space<vmem>>, vector<128x128xf32>
    %dot_general3A_39 = arith.constant dense<0.000000e+00> : vector<1024x128xf32>
    %dot_general3A_40 = tpu.matmul %mul3A_35, %get3A_38, %dot_general3A_39 {dimension_numbers = #tpu.dot_dimension_numbers<[1], [0], [0], [1], [0, 0, 1, 1], [], []>, transpose_lhs_hint = false} : vector<1024x128xf32>, vector<128x128xf32>, vector<1024x128xf32> -> vector<1024x128xf32>
    %get3A_41 = arith.constant 0 : index
    %get3A_42 = arith.constant 0 : index
    %get3A_43 = vector.load %arg8[%get3A_41, %get3A_42] : memref<1x128xf32, #tpu.memory_space<vmem>>, vector<1x128xf32>
    %add3A_44 = vector.broadcast %get3A_43 : vector<1x128xf32> to vector<1024x128xf32>
    %add3A_45 = arith.addf %dot_general3A_40, %add3A_44 : vector<1024x128xf32>
    %logistic3A_46 = arith.negf %add3A_45 : vector<1024x128xf32>
    %logistic3A_47 = math.exp %logistic3A_46 : vector<1024x128xf32>
    %logistic3A_48 = arith.constant 1.000000e+00 : f32
    %logistic3A_49 = vector.broadcast %logistic3A_48 : f32 to vector<1024x128xf32>
    %logistic3A_50 = arith.addf %logistic3A_49, %logistic3A_47 : vector<1024x128xf32>
    %logistic3A_51 = arith.divf %logistic3A_49, %logistic3A_50 : vector<1024x128xf32>
    %mul3A_52 = arith.mulf %add3A_45, %logistic3A_51 : vector<1024x128xf32>
    %get3A_53 = arith.constant 0 : index
    %get3A_54 = arith.constant 0 : index
    %get3A_55 = vector.load %arg9[%get3A_53, %get3A_54] : memref<1x128xf32, #tpu.memory_space<vmem>>, vector<1x128xf32>
    %dot_general3A_56 = arith.constant dense<0.000000e+00> : vector<1x1024xf32>
    %dot_general3A_57 = tpu.matmul %get3A_55, %mul3A_52, %dot_general3A_56 {dimension_numbers = #tpu.dot_dimension_numbers<[1], [1], [0], [0], [0, 0, 1, 0], [], []>, transpose_lhs_hint = false} : vector<1x128xf32>, vector<1024x128xf32>, vector<1x1024xf32> -> vector<1x1024xf32>
    %swap3A = arith.constant 0 : index
    %swap3A_58 = arith.constant 0 : index
    %swap3A_59 = vector.load %arg10[%swap3A, %swap3A_58] : memref<1x1024xf32, #tpu.memory_space<vmem>>, vector<1x1024xf32>
    tpu.vector_store %arg10[%swap3A, %swap3A_58], %dot_general3A_57 {strides = array<i32>} : memref<1x1024xf32, #tpu.memory_space<vmem>>, vector<1x1024xf32>,
    return
  }
  func.func @transform_0(%arg0: i32) -> (i32, i32) {
    %c0_i32 = arith.constant 0 : i32
    %c0_i32_0 = arith.constant 0 : i32
    return %arg0, %c0_i32 : i32, i32
  }
  func.func @transform_1(%arg0: i32) -> (i32, i32) {
    %c0_i32 = arith.constant 0 : i32
    %c0_i32_0 = arith.constant 0 : i32
    return %arg0, %c0_i32 : i32, i32
  }
  func.func @transform_2(%arg0: i32) -> (i32, i32) {
    %c0_i32 = arith.constant 0 : i32
    %c0_i32_0 = arith.constant 0 : i32
    %c0_i32_1 = arith.constant 0 : i32
    return %c0_i32, %c0_i32_0 : i32, i32
  }
  func.func @transform_3(%arg0: i32) -> (i32, i32) {
    %c0_i32 = arith.constant 0 : i32
    %c0_i32_0 = arith.constant 0 : i32
    %c0_i32_1 = arith.constant 0 : i32
    return %c0_i32, %c0_i32_0 : i32, i32
  }
  func.func @transform_4(%arg0: i32) -> (i32, i32) {
    %c0_i32 = arith.constant 0 : i32
    %c0_i32_0 = arith.constant 0 : i32
    %c0_i32_1 = arith.constant 0 : i32
    return %c0_i32, %c0_i32_0 : i32, i32
  }
  func.func @transform_5(%arg0: i32) -> (i32, i32) {
    %c0_i32 = arith.constant 0 : i32
    %c0_i32_0 = arith.constant 0 : i32
    %c0_i32_1 = arith.constant 0 : i32
    return %c0_i32, %c0_i32_0 : i32, i32
  }
  func.func @transform_6(%arg0: i32) -> (i32, i32) {
    %c0_i32 = arith.constant 0 : i32
    %c0_i32_0 = arith.constant 0 : i32
    %c0_i32_1 = arith.constant 0 : i32
    return %c0_i32, %c0_i32_0 : i32, i32
  }
  func.func @transform_7(%arg0: i32) -> (i32, i32) {
    %c0_i32 = arith.constant 0 : i32
    %c0_i32_0 = arith.constant 0 : i32
    %c0_i32_1 = arith.constant 0 : i32
    return %c0_i32, %c0_i32_0 : i32, i32
  }
  func.func @transform_8(%arg0: i32) -> (i32, i32) {
    %c0_i32 = arith.constant 0 : i32
    %c0_i32_0 = arith.constant 0 : i32
    %c0_i32_1 = arith.constant 0 : i32
    return %c0_i32, %c0_i32_0 : i32, i32
  }
  func.func @transform_9(%arg0: i32) -> (i32, i32) {
    %c0_i32 = arith.constant 0 : i32
    %c0_i32_0 = arith.constant 0 : i32
    return %c0_i32, %arg0 : i32, i32
  }
}

</mosaic_0001>

<sc_bundles>
// kernel: kernel.10.cloned.1.call-start
scs
__scs_entry_jumppad:
0x0: {  	(pc) =	sbr.rel $0x88, $3  }
0x1: {  	(tag) =	ssettag $0x0;
	lr =	simm.s32 $0x1  }
0x2: {  	[smem:$0x3F96] =	sst lr;
	_ =	strace $0xD0000000  }
0x3: {  	_ = 	snop  }
0x4: {  	_ = 	snop  }
0x5: {  	_ = 	snop  }
0x6: {  	_ = 	snop  }
0x7: {  	_ = 	snop  }
__scs_overlays_trampoline_lowered:
0x8: {  	[smem:$0x3FA5] =	sst s0  }
0x9: {  	[smem:$0x3FA6] =	sst s1  }
0xa: {  	[smem:$0x3FA7] =	sst s2  }
0xb: {  	[smem:$0x3FA8] =	sst s3  }
0xc: {  	[smem:$0x3FA9] =	sst s4  }
0xd: {  	[smem:$0x3FAA] =	sst s5  }
0xe: {  	[smem:$0x3FAB] =	sst s6  }
0xf: {  	[smem:$0x3FAC] =	sst s7  }
0x10: {  	[smem:$0x3FAD] =	sst s8  }
0x11: {  	[smem:$0x3FAE] =	sst s9;
	s0 =	simm.s32 @!p0 $0x0  }
0x12: {  	s1 =	sld [smem:$0x3F94];
	s0 =	simm.s32 @p0 $0x1  }
0x13: {  	[smem:$0x3FAF] =	sst s0;
	s0 =	simm.s32 @!p1 $0x0  }
0x14: {  	s2 =	sld [smem:$0x3F93];
	s0 =	simm.s32 @p1 $0x1  }
0x15: {  	[smem:$0x3FB0] =	sst s0;
	s0 =	simm.s32 @!p2 $0x0  }
0x16: {  	s3 =	sld [smem:$0x3FDB];
	s0 =	simm.s32 @p2 $0x1  }
0x17: {  	s4 =	simm.s32 $0x1BF5;
	[smem:$0x3FB2] =	sst s0  }
0x18: {  	s0 =	sld [smem:$0x3F95];
	_ =	swait.ge [sflag:s4], $0x0  }
0x19: {  	s7 =	sld [smem:$0x3F96]  }
0x1a: {  	s8 =	sadd.s32 $0xFFFFE003, lr  }
0x1b: {  	s9 =	sadd.s32 $0xFFFFFEF7, lr;
	s5 =	simm.s32 $0xFFFFFFFF;
	p2 =	slt.u32 s8, $0xFFFFF086  }
0x1c: {  	p1 =	slt.u32 s9, $0xF7A;
	s5 =	simm.s32 @!p2 $0x0  }
0x1d: {  	s5 =	simm.s32 @p1 $0x1;
	p0 =	seq.s32 s7, s2  }
0x1e: {  	s7 =	smul.u32 @!p0 $0xF7A, s2;
	p2 =	seq.s32 @!p0 s5, $0x0  }
0x1f: {  	s9 =	smul.u32 $0xF7A, s1;
	s8 =	simm.s32 @!p0 $0x1BF5;
	p2 =	por !p2, p0  }
0x20: {  	[sflag:s8] =	ssyncset.s32 @!p0 $0xFFFFF086;
	s6 =	sadd.s32 @!p0 s3, s7;
	s7 =	simm.s32 @!p0 $0x108  }
0x21: {  	s3 =	sadd.s32 s3, s9;
	s6 =	sadd.s32 @!p0 $0x88, s6;
	s7 =	simm.s32 @p2 $0x1082  }
0x22: {  	[simem:s7], [sflag:s8] =	dma.local @!p0 [hbm:s6], $0xF7A  }
0x23: {  	s9 =	sor.u32 $0xD0000000, s2;
	s6 =	simm.s32 $0x108;
	_ =	swait.ge @!p0 [sflag:s8], $0x0  }
0x24: {  	s3 =	sadd.s32 $0x88, s3;
	s6 =	simm.s32 @!p1 $0x1082;
	[sflag:s4] =	ssyncset.s32 $0xFFFFF086  }
0x25: {  	[simem:s6], [sflag:s4] =	dma.local [hbm:s3], $0xF7A  }
0x26: {  	[smem:$0x3F96] =	sst s1;
	(tag) =	ssettag s2;
	_ =	strace s9  }
0x27: {  	s1 =	sld [smem:$0x3FA6]  }
0x28: {  	s2 =	sld [smem:$0x3FA7]  }
0x29: {  	s4 =	sld [smem:$0x3FA9]  }
0x2a: {  	p0 =	seq.s32 s5, $0x0;
	s5 =	sld [smem:$0x3FAA]  }
0x2b: {  	s6 =	sld [smem:$0x3FAB]  }
0x2c: {  	s7 =	sld [smem:$0x3FAC]  }
0x2d: {  	s3 =	simm.s32 $0x108;
	s8 =	sld [smem:$0x3FAD]  }
0x2e: {  	s3 =	simm.s32 @!p0 $0x1082;
	s9 =	sld [smem:$0x3FAE]  }
0x2f: {  	lr =	sadd.s32 s0, s3;
	s0 =	sld [smem:$0x3FA5]  }
0x30: {  	s3 =	sld [smem:$0x3FA8]  }
0x31: {  	[smem:$0x3FB1] =	sst s10  }
0x32: {  	s10 =	sld [smem:$0x3FAF];
	_ =	sdelay $0x3  }
0x33: {  	p0 =	seq.s32 s10, $0x1;
	s10 =	sld [smem:$0x3FB1];
	_ =	sdelay $0x3  }
0x34: {  	[smem:$0x3FB1] =	sst s10  }
0x35: {  	s10 =	sld [smem:$0x3FB0];
	_ =	sdelay $0x3  }
0x36: {  	p1 =	seq.s32 s10, $0x1;
	s10 =	sld [smem:$0x3FB1];
	_ =	sdelay $0x3  }
0x37: {  	[smem:$0x3FB1] =	sst s10  }
0x38: {  	s10 =	sld [smem:$0x3FB2]  }
0x39: {  	_ = 	snop;
	(pc) =	sbr.ind lr, $3  }
0x3a: {  	_ = 	snop  }
0x3b: {  	_ = 	snop  }
0x3c: {  	p2 =	seq.s32 s10, $0x1;
	s10 =	sld [smem:$0x3FB1]  }
0x3d: {  	_ =	shalt  }
0x3e: {  	_ =	shalt  }
0x3f: {  	_ =	shalt  }
0x40: {  	_ =	shalt  }
0x41: {  	_ =	shalt  }
0x42: {  	_ =	shalt  }
0x43: {  	_ =	shalt  }
0x44: {  	_ =	shalt  }
0x45: {  	_ =	shalt  }
0x46: {  	_ =	shalt  }
0x47: {  	_ =	shalt  }
0x48: {  	_ =	shalt  }
0x49: {  	_ =	shalt  }
0x4a: {  	_ =	shalt  }
0x4b: {  	_ =	shalt  }
0x4c: {  	_ =	shalt  }
0x4d: {  	_ =	shalt  }
0x4e: {  	_ =	shalt  }
0x4f: {  	_ =	shalt  }
0x50: {  	_ =	shalt  }
0x51: {  	_ =	shalt  }
0x52: {  	_ =	shalt  }
0x53: {  	_ =	shalt  }
0x54: {  	_ =	shalt  }
0x55: {  	_ =	shalt  }
0x56: {  	_ =	shalt  }
0x57: {  	_ =	shalt  }
0x58: {  	_ =	shalt  }
0x59: {  	_ =	shalt  }
0x5a: {  	_ =	shalt  }
0x5b: {  	_ =	shalt  }
0x5c: {  	_ =	shalt  }
0x5d: {  	_ =	shalt  }
0x5e: {  	_ =	shalt  }
0x5f: {  	_ =	shalt  }
0x60: {  	_ =	shalt  }
0x61: {  	_ =	shalt  }
0x62: {  	_ =	shalt  }
0x63: {  	_ =	shalt  }
0x64: {  	_ =	shalt  }
0x65: {  	_ =	shalt  }
0x66: {  	_ =	shalt  }
0x67: {  	_ =	shalt  }
0x68: {  	_ =	shalt  }
0x69: {  	_ =	shalt  }
0x6a: {  	_ =	shalt  }
0x6b: {  	_ =	shalt  }
0x6c: {  	_ =	shalt  }
0x6d: {  	_ =	shalt  }
0x6e: {  	_ =	shalt  }
0x6f: {  	_ =	shalt  }
0x70: {  	_ =	shalt  }
0x71: {  	_ =	shalt  }
0x72: {  	_ =	shalt  }
0x73: {  	_ =	shalt  }
0x74: {  	_ =	shalt  }
0x75: {  	_ =	shalt  }
0x76: {  	_ =	shalt  }
0x77: {  	_ =	shalt  }
0x78: {  	_ =	shalt  }
0x79: {  	_ =	shalt  }
0x7a: {  	_ =	shalt  }
0x7b: {  	_ =	shalt  }
0x7c: {  	_ =	shalt  }
0x7d: {  	_ =	shalt  }
0x7e: {  	_ =	shalt  }
0x7f: {  	_ =	shalt  }
0x80: {  	_ =	shalt  }
0x81: {  	_ =	shalt  }
0x82: {  	_ =	shalt  }
0x83: {  	_ =	shalt  }
0x84: {  	_ =	shalt  }
0x85: {  	_ =	shalt  }
0x86: {  	_ =	shalt  }
0x87: {  	_ =	shalt  }
.Lfunc_end0:
.L_simem_size_0:
called_computation.1_lowered:
.L_overlay_start_0:
0x88: {  	s2 =	sld [smem:$0x3FD9]  }
0x89: {  	s3 =	sld [smem:$0x3FFE];
	_ =	sdelay $0x1  }
0x8a: {  	s1 =	srdreg.scid  }
0x8b: {  	s0 =	sand.u32 $0x1, s1  }
0x8c: {  	s16 =	sshll.u32 s0, $0xA;
	s2 =	sadd.s32 s3, s2  }
0x8d: {  	s2 =	sadd.s32 s2, s16  }
0x8e: {  	[smem:$0x3FBD] =	sst s2  }
0x8f: {  	_ = 	snop  }
0x90: {  	(tm) =	ssettm $0x1  }
0x91: {  	s17 =	sld [smem:$0x3FFB];
	_ =	sdelay $0x3  }
0x92: {  	_ =	strace s17  }
0x93: {  	s2 =	sld [smem:$0x3FFC];
	_ =	sdelay $0x3  }
0x94: {  	_ =	strace s2  }
0x95: {  	s2 =	sld [smem:$0x3FFD];
	_ =	sdelay $0x3  }
0x96: {  	_ =	strace s2  }
0x97: {  	_ =	strace $0x8FFFFFFF  }
0x98: {  	s18 =	sld [smem:$0x3FDB];
	_ =	sdelay $0x1  }
0x99: {  	s19 =	simm.s32 $_scs_section_size  }
0x9a: {  	s4 =	simm.s32 $_size__tile_overlayer_lowered;
	s5 =	simm.s32 $_tile_overlayer_lowered  }
0x9b: {  	s22 =	simm.s32 $0x1BFF;
	s21 =	sshll.u32 s5, $0x1;
	s2 =	sadd.s32 s19, s18  }
0x9c: {  	s6 =	simm.s32 $0x0;
	s20 =	sshll.u32 s4, $0x1;
	s4 =	sadd.s32 s21, s2  }
0x9d: {  	[timem:s6], [sflag:s22] =	dma.local [hbm:s4], s20  }
0x9e: {  	_ =	swait.ge [sflag:s22], s20  }
0x9f: {  	s3 =	ssub.s32 $0x0, s20;
	[sflag:s22] =	ssyncset.done $0x0  }
0xa0: {  	[sflag:s22] =	ssyncadd.s32 s3;
	_ =	sdelay $0x1  }
0xa1: {  	s23 =	simm.s32 $0x1B8B  }
0xa2: {  	_ =	swait.ge [sflag:s23], $0x1  }
0xa3: {  	[sflag:s23] =	ssyncset.done $0x0  }
0xa4: {  	s25 =	simm.s32 $0x1B8E;
	s24 =	sld [smem:$0x3FFE];
	[sflag:s23] =	ssyncadd.s32 $0xFFFFFFFF  }
0xa5: {  	s26 =	simm.s32 $execute0_lowered;
	[smem:$0x3FD2] =	sst s25  }
0xa6: {  	s4 =	sshll.u32 s26, $0x1;
	_ =	strace $0x80000049;
	[dreg:$0x1] =	wrdreg $0xFFFFFFFF  }
0xa7: {  	s28 =	simm.s32 $_size_execute0_lowered;
	s2 =	sadd.s32 s2, s4;
	[dreg:$0x0] =	wrdreg $0x0  }
0xa8: {  	s4 =	sshll.u32 s28, $0x1;
	[dreg:$0x2] =	wrdreg s2  }
0xa9: {  	[dreg:$0x3] =	wrdreg s4  }
0xaa: {  	[dreg:$0x4] =	wrdreg $0xC0  }
0xab: {  	_ =	task [dreg:s6], $0x5FFFF  }
0xac: {  	[dreg:$0x1] =	wrdreg $0xFFFFFFFF  }
0xad: {  	[dreg:$0x0] =	wrdreg $0x60  }
0xae: {  	[dreg:$0x2] =	wrdreg s24  }
0xaf: {  	[dreg:$0x3] =	wrdreg $0x81000  }
0xb0: {  	[dreg:$0x4] =	wrdreg $0x9  }
0xb1: {  	_ =	task.clear_ibuf [dreg:s6], $0x5FFFF;
	_ =	strace $0x90000049  }
0xb2: {  	s29 =	simm.s32 $0x9;
	_ =	strace $0x8000004B  }
0xb3: {  	_ =	swait.ge [sflag:s29], $0x1  }
0xb4: {  	[sflag:s29] =	ssyncadd.s32 $0xFFFFFFFF  }
0xb5: {  	_ =	strace $0x9000004B  }
0xb6: {  	_ =	sfence  }
0xb7: {  	s30 =	sld [smem:$0x0];
	_ =	sdelay $0x2  }
0xb8: {  	s31 =	sshll.u32 s1, $0xD;
	s1 =	sshrl.u32 s1, $0x2  }
0xb9: {  	s3 =	sand.u32 $0x4000, s31;
	s1 =	sadd.s32 s1, s30  }
0xba: {  	s0 =	sor.u32 s3, s0;
	s1 =	sshll.u32 s1, $0x11  }
0xbb: {  	s0 =	sor.u32 s1, s0  }
0xbc: {  	s0 =	sadd.s32 $0x8F2B, s0  }
0xbd: {  	[sflag:s0] =	ssyncadd.remote.s32 $0x1  }
0xbe: {  	_ =	sfence.sel $0xFFFF  }
0xbf: {  	[dreg:$0x0] =	wrdreg $0xFFFFFFFF;
	(pc) =	sbr.abs _section_cstart, $3  }
0xc0: {  	[dreg:$0x1] =	wrdreg $0xFFFFFFFF  }
0xc1: {  	_ =	task.clear_ibuf [dreg:s6], $0x2FFFF;
	_ =	strace $0x9FFFFFFF  }
0xc2: {  	(tm) =	ssettm $0x7FFFFFFF  }
0xc3: {  	_ =	shalt  }
tec
execute0_lowered:
.L_overlay_start_1:
0x0: {  	(tag) =	ssettag $0x1  }
0x1: {  	s0 =	rddreg [dreg:$0x0]  }
0x2: {  	s1 =	rddreg [dreg:$0x1]  }
0x3: {  	s2 =	simm.s32 $0x0;
	s6 =	srdreg.scid;
	s16 =	stileid.u32  }
0x4: {  	s30 =	simm.s32 $0x1C100;
	s31 =	simm.s32 $0x1C180;
	[smem:$0x7FF] =	sst s2  }
0x5: {  	s28 =	simm.s32 $0x3;
	s3 =	sadd.s32 $0x2EFE00, s0;
	s4 =	sadd.s32 $0x560E00, s0  }
0x6: {  	s29 =	simm.s32 $0x4;
	s5 =	sadd.s32 $0x29FE00, s0;
	s7 =	sadd.s32 $0x2C7E00, s0  }
0x7: {  	s6 =	sand.u32 $0x1, s6;
	s8 =	sadd.s32 $0x1E00, s0;
	s12 =	smul.u32 $0x50000, s16  }
0x8: {  	s10 =	sshll.u32 s16, $0x1;
	s0 =	sadd.s32 $0x29E00, s0;
	s17 =	smul.u32 $0x2800, s16  }
0x9: {  	s23 =	sshll.u32 s16, $0x6;
	s9 =	ssub.s32 $0x2, s6;
	s22 =	smul.u32 $0x1388, s6  }
0xa: {  	s10 =	sor.u32 s6, s10;
	p0 =	seq.s32 s6, $0x0;
	s6 =	smul.u32 $0x13880, s6  }
0xb: {  	_ =	strace $0x8000004A;
	s11 =	sshrl.u32 s9, $0x1;
	s24 =	smul.u32 $0x1388, s10  }
0xc: {  	s25 =	sshrl.u32 s12, $0x2;
	s10 =	smul.u32 $0x13880, s10;
	s7 =	smov.u32 @p0 s5  }
0xd: {  	s0 =	smov.u32 @p0 s8;
	s13 =	ssub.s32 s9, s11;
	s9 =	sadd.s32 s25, s1  }
0xe: {  	[dreg:$0x3] =	wrdreg s9;
	s26 =	sshrl.u32 s24, $0x3;
	s12 =	sadd.s32 s3, s10  }
0xf: {  	s14 =	sadd.s32 $0x80, s24;
	s18 =	sadd.s32 $0x1380, s24;
	s9 =	sadd.s32 s4, s26  }
0x10: {  	[dreg:$0x5] =	wrdreg s12;
	s15 =	sshrl.u32 s14, $0x3;
	s19 =	sshrl.u32 s18, $0x3  }
0x11: {  	s12 =	sshll.u32 s18, $0x4;
	s18 =	smul.u32 $0x2710, s16;
	[dreg:$0x4] =	wrdreg s9  }
0x12: {  	s9 =	sshll.u32 s14, $0x4;
	s10 =	sadd.s32 s4, s15;
	s20 =	sadd.s32 s4, s19  }
0x13: {  	s14 =	sadd.s32 $0x1300, s24;
	s11 =	sadd.s32 s3, s12;
	s12 =	smax.u32 s13, $0x1  }
0x14: {  	s15 =	sadd.s32 s7, s17;
	s19 =	smul.u32 $0x27100, s16;
	s16 =	sor.u32 $0x1C05, s23  }
0x15: {  	s17 =	sadd.s32 s0, s17;
	s23 =	simm.s32 $0x80;
	[dreg:$0x6] =	wrdreg s10  }
0x16: {  	s9 =	sadd.s32 s3, s9;
	[dreg:$0x8] =	wrdreg s20;
	s21 =	sshrl.u32 s14, $0x3  }
0x17: {  	s14 =	sshll.u32 s14, $0x4;
	s5 =	sadd.s32 s22, s18;
	s22 =	simm.s32 $0x100  }
0x18: {  	[dreg:$0x7] =	wrdreg s9;
	s13 =	sadd.s32 s4, s21;
	s14 =	sadd.s32 s3, s14  }
0x19: {  	s3 =	sadd.s32 s19, s3;
	s24 =	sadd.s32 $0x180, s5;
	s20 =	sadd.s32 $0x100, s5  }
0x1a: {  	s21 =	simm.s32 $0x5;
	s25 =	sadd.s32 s6, s3;
	s26 =	sshrl.u32 s24, $0x3  }
0x1b: {  	s24 =	simm.s32 $0x4100;
	s3 =	simm.s32 $0x0;
	s8 =	sadd.s32 $0x1800, s25  }
0x1c: {  	s19 =	sadd.s32 s26, s4;
	s25 =	simm.s32 $0x1;
	s26 =	simm.s32 $0x2  }
.LBB2_1:
0x1d: {  	s0 =	rddreg [dreg:$0x3]  }
0x1e: {  	s0 =	sshrl.u32 s0, $0x3  }
0x1f: {  	[spmem:s0], [sflag:s16] =	dma.local [hbm:s15], $0x2800  }
0x20: {  	_ =	swait.ge [sflag:s21], $0x2800  }
0x21: {  	[sflag:s21] =	ssyncset.done $0x0  }
0x22: {  	[sflag:s21] =	ssyncadd.s32 $0xFFFFD800  }
0x23: {  	[bflag:$0x0] =	sbarrier.arrive $0xFFFF  }
0x24: {  	s5 =	rddreg [dreg:$0x4]  }
0x25: {  	[tilespmem:s2], [sflag:$0x1] =	stream.linear.gather [hbm4b:s5+s2], $0x80, $0x38;
	[tilespmem:$0x1C580] =	vst v63  }
0x26: {  	s18 =	rddreg [dreg:$0x5]  }
0x27: {  	[tilespmem:s22], [sflag:$0x1] =	stream.linear.gather [hbm4b:s18+s2], $0x4000, $0x38;
	[tilespmem:$0x1C580] =	vst v63  }
0x28: {  	s6 =	rddreg [dreg:$0x6]  }
0x29: {  	[tilespmem:s23], [sflag:$0x2] =	stream.linear.gather [hbm4b:s6+s2], $0x80, $0x38;
	[tilespmem:$0x1C580] =	vst v63  }
0x2a: {  	s7 =	rddreg [dreg:$0x7]  }
0x2b: {  	[tilespmem:s24], [sflag:$0x2] =	stream.linear.gather [hbm4b:s7+s2], $0x4000, $0x38;
	[tilespmem:$0x1C580] =	vst v63  }
0x2c: {  	_ =	swait.ge [sflag:s25], $0x80  }
0x2d: {  	[sflag:s25] =	ssyncset.done $0x0  }
0x2e: {  	[sflag:s25] =	ssyncadd.s32 $0xFFFFFF80  }
0x2f: {  	_ =	swait.ge [sflag:s25], $0x4000  }
0x30: {  	[sflag:s25] =	ssyncset.done $0x0  }
0x31: {  	[sflag:s25] =	ssyncadd.s32 $0xFFFFC000  }
0x32: {  	[spmem:s1] =	stream.indirect.scatter.add.f32 [tilespmem:s22], [sflag:$0x3], $0x80, s2, s23, $0xb8;
	[tilespmem:$0x1C580] =	vst v63  }
0x33: {  	_ =	swait.ge [sflag:s26], $0x80  }
0x34: {  	[sflag:s26] =	ssyncset.done $0x0  }
0x35: {  	[sflag:s26] =	ssyncadd.s32 $0xFFFFFF80  }
0x36: {  	_ =	swait.ge [sflag:s26], $0x4000  }
0x37: {  	[sflag:s26] =	ssyncset.done $0x0  }
0x38: {  	[sflag:s26] =	ssyncadd.s32 $0xFFFFC000  }
0x39: {  	[spmem:s1] =	stream.indirect.scatter.add.f32 [tilespmem:s24], [sflag:$0x4], $0x80, s23, s23, $0xb8;
	[tilespmem:$0x1C580] =	vst v63  }
0x3a: {  	_ =	swait.ge [sflag:s28], $0x4000  }
0x3b: {  	s9 =	sshrl.u32 s20, $0x3;
	[sflag:s28] =	ssyncset.done $0x0  }
0x3c: {  	s5 =	sadd.s32 s4, s9;
	[sflag:s28] =	ssyncadd.s32 $0xFFFFC000  }
0x3d: {  	[tilespmem:s2], [sflag:$0x1] =	stream.linear.gather [hbm4b:s5+s2], $0x80, $0x38;
	[tilespmem:$0x1C580] =	vst v63  }
0x3e: {  	s10 =	sadd.s32 $0xFFFFF800, s8  }
0x3f: {  	[tilespmem:s22], [sflag:$0x1] =	stream.linear.gather [hbm4b:s10+s2], $0x4000, $0x38;
	[tilespmem:$0x1C580] =	vst v63  }
0x40: {  	_ =	swait.ge [sflag:s25], $0x80  }
0x41: {  	[sflag:s25] =	ssyncset.done $0x0  }
0x42: {  	[sflag:s25] =	ssyncadd.s32 $0xFFFFFF80  }
0x43: {  	_ =	swait.ge [sflag:s25], $0x4000  }
0x44: {  	[sflag:s25] =	ssyncset.done $0x0  }
0x45: {  	[sflag:s25] =	ssyncadd.s32 $0xFFFFC000  }
0x46: {  	[spmem:s1] =	stream.indirect.scatter.add.f32 [tilespmem:s22], [sflag:$0x3], $0x80, s2, s23, $0xb8;
	[tilespmem:$0x1C580] =	vst v63  }
0x47: {  	_ =	swait.ge [sflag:s29], $0x4000  }
0x48: {  	[sflag:s29] =	ssyncset.done $0x0  }
0x49: {  	s18 =	sadd.s32 $0x0, s19;
	s6 =	sadd.s32 $0x1000, s8;
	[sflag:s29] =	ssyncadd.s32 $0xFFFFC000  }
0x4a: {  	[tilespmem:s23], [sflag:$0x2] =	stream.linear.gather [hbm4b:s18+s2], $0x80, $0x38;
	[tilespmem:$0x1C580] =	vst v63  }
0x4b: {  	s7 =	sadd.s32 $0x100, s20;
	s5 =	simm.s32 $0x20;
	s18 =	smov.u32 s8  }
.LBB2_2:
0x4c: {  	[tilespmem:s24], [sflag:$0x2] =	stream.linear.gather [hbm4b:s18+s2], $0x4000, $0x38;
	[tilespmem:$0x1C580] =	vst v63  }
0x4d: {  	s9 =	smov.u32 s5;
	s18 =	smov.u32 s6  }
0x4e: {  	p0 =	sne.s32 s5, $0x220;
	s5 =	sadd.s32 $0x20, s5;
	_ =	swait.ge [sflag:s26], $0x80  }
0x4f: {  	[sflag:s26] =	ssyncset.done $0x0  }
0x50: {  	[sflag:s26] =	ssyncadd.s32 $0xFFFFFF80  }
0x51: {  	_ =	swait.ge [sflag:s26], $0x4000  }
0x52: {  	[sflag:s26] =	ssyncset.done $0x0  }
0x53: {  	[sflag:s26] =	ssyncadd.s32 $0xFFFFC000  }
0x54: {  	[spmem:s1] =	stream.indirect.scatter.add.f32 [tilespmem:s24], [sflag:$0x4], $0x80, s23, s23, $0xb8;
	[tilespmem:$0x1C580] =	vst v63  }
0x55: {  	_ =	swait.ge [sflag:s28], $0x4000  }
0x56: {  	s10 =	sshrl.u32 s7, $0x3;
	[sflag:s28] =	ssyncset.done $0x0  }
0x57: {  	s10 =	sadd.s32 s4, s10;
	[sflag:s28] =	ssyncadd.s32 $0xFFFFC000  }
0x58: {  	[tilespmem:s2], [sflag:$0x1] =	stream.linear.gather [hbm4b:s10+s2], $0x80, $0x38;
	[tilespmem:$0x1C580] =	vst v63  }
0x59: {  	s10 =	sadd.s32 $0xFFFFF800, s6  }
0x5a: {  	[tilespmem:s22], [sflag:$0x1] =	stream.linear.gather [hbm4b:s10+s2], $0x4000, $0x38;
	[tilespmem:$0x1C580] =	vst v63  }
0x5b: {  	_ =	swait.ge [sflag:s25], $0x80  }
0x5c: {  	[sflag:s25] =	ssyncset.done $0x0  }
0x5d: {  	[sflag:s25] =	ssyncadd.s32 $0xFFFFFF80  }
0x5e: {  	_ =	swait.ge [sflag:s25], $0x4000  }
0x5f: {  	[sflag:s25] =	ssyncset.done $0x0  }
0x60: {  	[sflag:s25] =	ssyncadd.s32 $0xFFFFC000  }
0x61: {  	[spmem:s1] =	stream.indirect.scatter.add.f32 [tilespmem:s22], [sflag:$0x3], $0x80, s2, s23, $0xb8;
	[tilespmem:$0x1C580] =	vst v63  }
.Ltmp0:
0x62: {  	_ =	swait.ge [sflag:s29], $0x4000;
	(pc) =	sbr.rel @p0 .LBB2_2-.Ltmp0, $4  }
0x63: {  	[sflag:s29] =	ssyncset.done $0x0  }
0x64: {  	s9 =	sadd.s32 s9, s19;
	[sflag:s29] =	ssyncadd.s32 $0xFFFFC000  }
0x65: {  	[tilespmem:s23], [sflag:$0x2] =	stream.linear.gather [hbm4b:s9+s2], $0x80, $0x38;
	[tilespmem:$0x1C580] =	vst v63  }
0x66: {  	s7 =	sadd.s32 $0x100, s7;
	s6 =	sadd.s32 $0x1000, s6  }
0x67: {  	[tilespmem:s24], [sflag:$0x2] =	stream.linear.gather [hbm4b:s18+s2], $0x4000, $0x38;
	[tilespmem:$0x1C580] =	vst v63  }
0x68: {  	_ =	swait.ge [sflag:s26], $0x80  }
0x69: {  	[sflag:s26] =	ssyncset.done $0x0  }
0x6a: {  	[sflag:s26] =	ssyncadd.s32 $0xFFFFFF80  }
0x6b: {  	_ =	swait.ge [sflag:s26], $0x4000  }
0x6c: {  	[sflag:s26] =	ssyncset.done $0x0  }
0x6d: {  	[sflag:s26] =	ssyncadd.s32 $0xFFFFC000  }
0x6e: {  	[spmem:s1] =	stream.indirect.scatter.add.f32 [tilespmem:s24], [sflag:$0x4], $0x80, s23, s23, $0xb8;
	[tilespmem:$0x1C580] =	vst v63  }
0x6f: {  	_ =	swait.ge [sflag:s28], $0x4000  }
0x70: {  	[sflag:s28] =	ssyncset.done $0x0  }
0x71: {  	[sflag:s28] =	ssyncadd.s32 $0xFFFFC000  }
0x72: {  	[tilespmem:s2], [sflag:$0x1] =	stream.linear.gather [hbm4b:s13+s2], $0x80, $0x38;
	[tilespmem:$0x1C580] =	vst v63  }
0x73: {  	_ = 	snop  }
0x74: {  	[tilespmem:s22], [sflag:$0x1] =	stream.linear.gather [hbm4b:s14+s2], $0x4000, $0x38;
	[tilespmem:$0x1C580] =	vst v63  }
0x75: {  	_ =	swait.ge [sflag:s25], $0x80  }
0x76: {  	[sflag:s25] =	ssyncset.done $0x0  }
0x77: {  	[sflag:s25] =	ssyncadd.s32 $0xFFFFFF80  }
0x78: {  	_ =	swait.ge [sflag:s25], $0x4000  }
0x79: {  	[sflag:s25] =	ssyncset.done $0x0  }
0x7a: {  	[sflag:s25] =	ssyncadd.s32 $0xFFFFC000  }
0x7b: {  	[spmem:s1] =	stream.indirect.scatter.add.f32 [tilespmem:s22], [sflag:$0x3], $0x80, s2, s23, $0xb8;
	[tilespmem:$0x1C580] =	vst v63  }
0x7c: {  	_ =	swait.ge [sflag:s29], $0x4000  }
0x7d: {  	[sflag:s29] =	ssyncset.done $0x0  }
0x7e: {  	[sflag:s29] =	ssyncadd.s32 $0xFFFFC000  }
0x7f: {  	_ =	swait.ge [sflag:s28], $0x4000  }
0x80: {  	[sflag:s28] =	ssyncset.done $0x0  }
0x81: {  	s5 =	rddreg [dreg:$0x8];
	[sflag:s28] =	ssyncadd.s32 $0xFFFFC000  }
0x82: {  	[tilespmem:s30], [sflag:$0x5] =	stream.linear.gather [hbm4b:s5+s2], $0x8, $0x38;
	[tilespmem:$0x1C580] =	vst v63  }
0x83: {  	_ =	swait.ge [sflag:s21], $0x8  }
0x84: {  	[sflag:s21] =	ssyncset.done $0x0  }
0x85: {  	[sflag:s21] =	ssyncadd.s32 $0xFFFFFFF8  }
0x86: {  	[tilespmem:s31], [sflag:$0x5] =	stream.linear.gather [hbm4b:s11+s2], $0x400, $0x38;
	[tilespmem:$0x1C580] =	vst v63  }
0x87: {  	_ =	swait.ge [sflag:s21], $0x400  }
0x88: {  	[sflag:s21] =	ssyncset.done $0x0  }
0x89: {  	s18 =	simm.s32 $0x8;
	[sflag:s21] =	ssyncadd.s32 $0xFFFFFC00  }
0x8a: {  	[spmem:s1] =	stream.indirect.scatter.add.f32 [tilespmem:s31], [sflag:$0x5], $0x80, s30, s18, $0xb8;
	[tilespmem:$0x1C580] =	vst v63  }
0x8b: {  	_ =	swait.ge [sflag:s21], $0x400  }
0x8c: {  	s3 =	sadd.s32 $0x1, s3;
	[sflag:s21] =	ssyncset.done $0x0  }
0x8d: {  	p0 =	sne.s32 s3, s12;
	[sflag:s21] =	ssyncadd.s32 $0xFFFFFC00  }
.Ltmp1:
0x8e: {  	[bflag:$0x0] =	sbarrier.arrive $0xFFFF;
	(pc) =	sbr.rel @p0 .LBB2_1-.Ltmp1, $4  }
0x8f: {  	[hbm:s17], [sflag:s16] =	dma.local [spmem:s0], $0x2800  }
0x90: {  	_ =	swait.ge [sflag:s21], $0x2800  }
0x91: {  	[sflag:s21] =	ssyncset.done $0x0  }
0x92: {  	[sflag:s21] =	ssyncadd.s32 $0xFFFFD800  }
0x93: {  	_ =	sfence.sel $0x180000  }
0x94: {  	[bflag:$0x0] =	sbarrier.arrive $0xFFFF  }
0x95: {  	_ =	strace $0x9000004A  }
0x96: {  	s0 =	stileid.u32;
	[bflag:$0x2] =	sbarrier.arrive $0xFFFF  }
0x97: {  	p0 =	sne.s32 s0, $0x0;
	s0 =	rddreg [dreg:$0x2]  }
0x98: {  	s0 =	sadd.s32 @!p0 $0x100000, s0  }
0x99: {  	[sflag:s0] =	ssyncadd.tile.s32 @!p0 $0x1;
	_ =	shalt  }
.Lfunc_end2:
_tile_overlayer_lowered:
.L_overlay_start_2:
0x9a: {  	(tag) =	ssettag $0x2  }
0x9b: {  	s0 =	rddreg [dreg:$0x0];
	s2 =	stileid.u32  }
0x9c: {  	s1 =	rddreg [dreg:$0x1];
	p0 =	sne.s32 s2, $0x0  }
0x9d: {  	s3 =	rddreg [dreg:$0x2];
	[bflag:$0x3] =	sbarrier.arrive $0xFFFF;
	s2 =	simm.s32 @!p0 $0x1C05  }
0x9e: {  	[timem:s3], [sflag:s2] =	dma.local @!p0 [hbm:s0], s1  }
0x9f: {  	s0 =	simm.s32 @!p0 $0x5  }
0xa0: {  	_ =	swait.ge @!p0 [sflag:s0], s1  }
0xa1: {  	s1 =	ssub.s32 @!p0 $0x0, s1;
	[sflag:s0] =	ssyncset.done @!p0 $0x0  }
0xa2: {  	[sflag:s0] =	ssyncadd.s32 @!p0 s1  }
0xa3: {  	[bflag:$0x3] =	sbarrier.arrive $0xFFFF  }
0xa4: {  	_ =	shalt  }

// kernel: kernel.7.cloned.1.call-start
scs
__scs_entry_jumppad:
0x0: {  	(pc) =	sbr.rel $0x88, $3  }
0x1: {  	(tag) =	ssettag $0x0;
	lr =	simm.s32 $0x1  }
0x2: {  	[smem:$0x3F96] =	sst lr;
	_ =	strace $0xD0000000  }
0x3: {  	_ = 	snop  }
0x4: {  	_ = 	snop  }
0x5: {  	_ = 	snop  }
0x6: {  	_ = 	snop  }
0x7: {  	_ = 	snop  }
__scs_overlays_trampoline_lowered:
0x8: {  	[smem:$0x3FA5] =	sst s0  }
0x9: {  	[smem:$0x3FA6] =	sst s1  }
0xa: {  	[smem:$0x3FA7] =	sst s2  }
0xb: {  	[smem:$0x3FA8] =	sst s3  }
0xc: {  	[smem:$0x3FA9] =	sst s4  }
0xd: {  	[smem:$0x3FAA] =	sst s5  }
0xe: {  	[smem:$0x3FAB] =	sst s6  }
0xf: {  	[smem:$0x3FAC] =	sst s7  }
0x10: {  	[smem:$0x3FAD] =	sst s8  }
0x11: {  	[smem:$0x3FAE] =	sst s9;
	s0 =	simm.s32 @!p0 $0x0  }
0x12: {  	s1 =	sld [smem:$0x3F94];
	s0 =	simm.s32 @p0 $0x1  }
0x13: {  	[smem:$0x3FAF] =	sst s0;
	s0 =	simm.s32 @!p1 $0x0  }
0x14: {  	s2 =	sld [smem:$0x3F93];
	s0 =	simm.s32 @p1 $0x1  }
0x15: {  	[smem:$0x3FB0] =	sst s0;
	s0 =	simm.s32 @!p2 $0x0  }
0x16: {  	s3 =	sld [smem:$0x3FDB];
	s0 =	simm.s32 @p2 $0x1  }
0x17: {  	s4 =	simm.s32 $0x1BF5;
	[smem:$0x3FB2] =	sst s0  }
0x18: {  	s0 =	sld [smem:$0x3F95];
	_ =	swait.ge [sflag:s4], $0x0  }
0x19: {  	s7 =	sld [smem:$0x3F96]  }
0x1a: {  	s8 =	sadd.s32 $0xFFFFE003, lr  }
0x1b: {  	s9 =	sadd.s32 $0xFFFFFEF7, lr;
	s5 =	simm.s32 $0xFFFFFFFF;
	p2 =	slt.u32 s8, $0xFFFFF086  }
0x1c: {  	p1 =	slt.u32 s9, $0xF7A;
	s5 =	simm.s32 @!p2 $0x0  }
0x1d: {  	s5 =	simm.s32 @p1 $0x1;
	p0 =	seq.s32 s7, s2  }
0x1e: {  	s7 =	smul.u32 @!p0 $0xF7A, s2;
	p2 =	seq.s32 @!p0 s5, $0x0  }
0x1f: {  	s9 =	smul.u32 $0xF7A, s1;
	s8 =	simm.s32 @!p0 $0x1BF5;
	p2 =	por !p2, p0  }
0x20: {  	[sflag:s8] =	ssyncset.s32 @!p0 $0xFFFFF086;
	s6 =	sadd.s32 @!p0 s3, s7;
	s7 =	simm.s32 @!p0 $0x108  }
0x21: {  	s3 =	sadd.s32 s3, s9;
	s6 =	sadd.s32 @!p0 $0x88, s6;
	s7 =	simm.s32 @p2 $0x1082  }
0x22: {  	[simem:s7], [sflag:s8] =	dma.local @!p0 [hbm:s6], $0xF7A  }
0x23: {  	s9 =	sor.u32 $0xD0000000, s2;
	s6 =	simm.s32 $0x108;
	_ =	swait.ge @!p0 [sflag:s8], $0x0  }
0x24: {  	s3 =	sadd.s32 $0x88, s3;
	s6 =	simm.s32 @!p1 $0x1082;
	[sflag:s4] =	ssyncset.s32 $0xFFFFF086  }
0x25: {  	[simem:s6], [sflag:s4] =	dma.local [hbm:s3], $0xF7A  }
0x26: {  	[smem:$0x3F96] =	sst s1;
	(tag) =	ssettag s2;
	_ =	strace s9  }
0x27: {  	s1 =	sld [smem:$0x3FA6]  }
0x28: {  	s2 =	sld [smem:$0x3FA7]  }
0x29: {  	s4 =	sld [smem:$0x3FA9]  }
0x2a: {  	p0 =	seq.s32 s5, $0x0;
	s5 =	sld [smem:$0x3FAA]  }
0x2b: {  	s6 =	sld [smem:$0x3FAB]  }
0x2c: {  	s7 =	sld [smem:$0x3FAC]  }
0x2d: {  	s3 =	simm.s32 $0x108;
	s8 =	sld [smem:$0x3FAD]  }
0x2e: {  	s3 =	simm.s32 @!p0 $0x1082;
	s9 =	sld [smem:$0x3FAE]  }
0x2f: {  	lr =	sadd.s32 s0, s3;
	s0 =	sld [smem:$0x3FA5]  }
0x30: {  	s3 =	sld [smem:$0x3FA8]  }
0x31: {  	[smem:$0x3FB1] =	sst s10  }
0x32: {  	s10 =	sld [smem:$0x3FAF];
	_ =	sdelay $0x3  }
0x33: {  	p0 =	seq.s32 s10, $0x1;
	s10 =	sld [smem:$0x3FB1];
	_ =	sdelay $0x3  }
0x34: {  	[smem:$0x3FB1] =	sst s10  }
0x35: {  	s10 =	sld [smem:$0x3FB0];
	_ =	sdelay $0x3  }
0x36: {  	p1 =	seq.s32 s10, $0x1;
	s10 =	sld [smem:$0x3FB1];
	_ =	sdelay $0x3  }
0x37: {  	[smem:$0x3FB1] =	sst s10  }
0x38: {  	s10 =	sld [smem:$0x3FB2]  }
0x39: {  	_ = 	snop;
	(pc) =	sbr.ind lr, $3  }
0x3a: {  	_ = 	snop  }
0x3b: {  	_ = 	snop  }
0x3c: {  	p2 =	seq.s32 s10, $0x1;
	s10 =	sld [smem:$0x3FB1]  }
0x3d: {  	_ =	shalt  }
0x3e: {  	_ =	shalt  }
0x3f: {  	_ =	shalt  }
0x40: {  	_ =	shalt  }
0x41: {  	_ =	shalt  }
0x42: {  	_ =	shalt  }
0x43: {  	_ =	shalt  }
0x44: {  	_ =	shalt  }
0x45: {  	_ =	shalt  }
0x46: {  	_ =	shalt  }
0x47: {  	_ =	shalt  }
0x48: {  	_ =	shalt  }
0x49: {  	_ =	shalt  }
0x4a: {  	_ =	shalt  }
0x4b: {  	_ =	shalt  }
0x4c: {  	_ =	shalt  }
0x4d: {  	_ =	shalt  }
0x4e: {  	_ =	shalt  }
0x4f: {  	_ =	shalt  }
0x50: {  	_ =	shalt  }
0x51: {  	_ =	shalt  }
0x52: {  	_ =	shalt  }
0x53: {  	_ =	shalt  }
0x54: {  	_ =	shalt  }
0x55: {  	_ =	shalt  }
0x56: {  	_ =	shalt  }
0x57: {  	_ =	shalt  }
0x58: {  	_ =	shalt  }
0x59: {  	_ =	shalt  }
0x5a: {  	_ =	shalt  }
0x5b: {  	_ =	shalt  }
0x5c: {  	_ =	shalt  }
0x5d: {  	_ =	shalt  }
0x5e: {  	_ =	shalt  }
0x5f: {  	_ =	shalt  }
0x60: {  	_ =	shalt  }
0x61: {  	_ =	shalt  }
0x62: {  	_ =	shalt  }
0x63: {  	_ =	shalt  }
0x64: {  	_ =	shalt  }
0x65: {  	_ =	shalt  }
0x66: {  	_ =	shalt  }
0x67: {  	_ =	shalt  }
0x68: {  	_ =	shalt  }
0x69: {  	_ =	shalt  }
0x6a: {  	_ =	shalt  }
0x6b: {  	_ =	shalt  }
0x6c: {  	_ =	shalt  }
0x6d: {  	_ =	shalt  }
0x6e: {  	_ =	shalt  }
0x6f: {  	_ =	shalt  }
0x70: {  	_ =	shalt  }
0x71: {  	_ =	shalt  }
0x72: {  	_ =	shalt  }
0x73: {  	_ =	shalt  }
0x74: {  	_ =	shalt  }
0x75: {  	_ =	shalt  }
0x76: {  	_ =	shalt  }
0x77: {  	_ =	shalt  }
0x78: {  	_ =	shalt  }
0x79: {  	_ =	shalt  }
0x7a: {  	_ =	shalt  }
0x7b: {  	_ =	shalt  }
0x7c: {  	_ =	shalt  }
0x7d: {  	_ =	shalt  }
0x7e: {  	_ =	shalt  }
0x7f: {  	_ =	shalt  }
0x80: {  	_ =	shalt  }
0x81: {  	_ =	shalt  }
0x82: {  	_ =	shalt  }
0x83: {  	_ =	shalt  }
0x84: {  	_ =	shalt  }
0x85: {  	_ =	shalt  }
0x86: {  	_ =	shalt  }
0x87: {  	_ =	shalt  }
.Lfunc_end0:
.L_simem_size_0:
called_computation_lowered:
.L_overlay_start_0:
0x88: {  	s2 =	sld [smem:$0x3FD9]  }
0x89: {  	s3 =	sld [smem:$0x3FFE];
	_ =	sdelay $0x1  }
0x8a: {  	s1 =	srdreg.scid  }
0x8b: {  	s0 =	sand.u32 $0x1, s1  }
0x8c: {  	s16 =	sshll.u32 s0, $0xA;
	s2 =	sadd.s32 s3, s2  }
0x8d: {  	s2 =	sadd.s32 s2, s16  }
0x8e: {  	[smem:$0x3FBD] =	sst s2  }
0x8f: {  	_ = 	snop  }
0x90: {  	(tm) =	ssettm $0x1  }
0x91: {  	s17 =	sld [smem:$0x3FFB];
	_ =	sdelay $0x3  }
0x92: {  	_ =	strace s17  }
0x93: {  	s2 =	sld [smem:$0x3FFC];
	_ =	sdelay $0x3  }
0x94: {  	_ =	strace s2  }
0x95: {  	s2 =	sld [smem:$0x3FFD];
	_ =	sdelay $0x3  }
0x96: {  	_ =	strace s2  }
0x97: {  	_ =	strace $0x8FFFFFFF  }
0x98: {  	s18 =	sld [smem:$0x3FDB];
	_ =	sdelay $0x1  }
0x99: {  	s19 =	simm.s32 $_scs_section_size  }
0x9a: {  	s4 =	simm.s32 $_size__tile_overlayer_lowered;
	s5 =	simm.s32 $_tile_overlayer_lowered  }
0x9b: {  	s22 =	simm.s32 $0x1BFF;
	s21 =	sshll.u32 s5, $0x1;
	s2 =	sadd.s32 s19, s18  }
0x9c: {  	s6 =	simm.s32 $0x0;
	s20 =	sshll.u32 s4, $0x1;
	s4 =	sadd.s32 s21, s2  }
0x9d: {  	[timem:s6], [sflag:s22] =	dma.local [hbm:s4], s20  }
0x9e: {  	_ =	swait.ge [sflag:s22], s20  }
0x9f: {  	s3 =	ssub.s32 $0x0, s20;
	[sflag:s22] =	ssyncset.done $0x0  }
0xa0: {  	[sflag:s22] =	ssyncadd.s32 s3;
	_ =	sdelay $0x1  }
0xa1: {  	s23 =	simm.s32 $0x1B8B  }
0xa2: {  	_ =	swait.ge [sflag:s23], $0x1  }
0xa3: {  	[sflag:s23] =	ssyncset.done $0x0  }
0xa4: {  	s25 =	simm.s32 $0x1B8E;
	s24 =	sld [smem:$0x3FFE];
	[sflag:s23] =	ssyncadd.s32 $0xFFFFFFFF  }
0xa5: {  	s26 =	simm.s32 $execute0_lowered;
	[smem:$0x3FD2] =	sst s25  }
0xa6: {  	s4 =	sshll.u32 s26, $0x1;
	_ =	strace $0x80000046;
	[dreg:$0x1] =	wrdreg $0xFFFFFFFF  }
0xa7: {  	s28 =	simm.s32 $_size_execute0_lowered;
	s2 =	sadd.s32 s2, s4;
	[dreg:$0x0] =	wrdreg $0x0  }
0xa8: {  	s4 =	sshll.u32 s28, $0x1;
	[dreg:$0x2] =	wrdreg s2  }
0xa9: {  	[dreg:$0x3] =	wrdreg s4  }
0xaa: {  	[dreg:$0x4] =	wrdreg $0xC0  }
0xab: {  	_ =	task [dreg:s6], $0x5FFFF  }
0xac: {  	[dreg:$0x1] =	wrdreg $0xFFFFFFFF  }
0xad: {  	[dreg:$0x0] =	wrdreg $0x60  }
0xae: {  	[dreg:$0x2] =	wrdreg s24  }
0xaf: {  	[dreg:$0x3] =	wrdreg $0x81000  }
0xb0: {  	[dreg:$0x4] =	wrdreg $0x9  }
0xb1: {  	_ =	task.clear_ibuf [dreg:s6], $0x5FFFF;
	_ =	strace $0x90000046  }
0xb2: {  	s29 =	simm.s32 $0x9;
	_ =	strace $0x80000048  }
0xb3: {  	_ =	swait.ge [sflag:s29], $0x1  }
0xb4: {  	[sflag:s29] =	ssyncadd.s32 $0xFFFFFFFF  }
0xb5: {  	_ =	strace $0x90000048  }
0xb6: {  	_ =	sfence  }
0xb7: {  	s30 =	sld [smem:$0x0];
	_ =	sdelay $0x2  }
0xb8: {  	s31 =	sshll.u32 s1, $0xD;
	s1 =	sshrl.u32 s1, $0x2  }
0xb9: {  	s3 =	sand.u32 $0x4000, s31;
	s1 =	sadd.s32 s1, s30  }
0xba: {  	s0 =	sor.u32 s3, s0;
	s1 =	sshll.u32 s1, $0x11  }
0xbb: {  	s0 =	sor.u32 s1, s0  }
0xbc: {  	s0 =	sadd.s32 $0x8F2B, s0  }
0xbd: {  	[sflag:s0] =	ssyncadd.remote.s32 $0x1  }
0xbe: {  	_ =	sfence.sel $0xFFFF  }
0xbf: {  	[dreg:$0x0] =	wrdreg $0xFFFFFFFF;
	(pc) =	sbr.abs _section_cstart, $3  }
0xc0: {  	[dreg:$0x1] =	wrdreg $0xFFFFFFFF  }
0xc1: {  	_ =	task.clear_ibuf [dreg:s6], $0x2FFFF;
	_ =	strace $0x9FFFFFFF  }
0xc2: {  	(tm) =	ssettm $0x7FFFFFFF  }
0xc3: {  	_ =	shalt  }
tec
execute0_lowered:
.L_overlay_start_1:
0x0: {  	(tag) =	ssettag $0x1  }
0x1: {  	s0 =	rddreg [dreg:$0x0]  }
0x2: {  	s1 =	rddreg [dreg:$0x1]  }
0x3: {  	s2 =	simm.s32 $0x0;
	s10 =	stileid.u32;
	s5 =	srdreg.scid  }
0x4: {  	s28 =	simm.s32 $0x3;
	s29 =	simm.s32 $0x4;
	s30 =	simm.s32 $0x1C100  }
0x5: {  	s31 =	simm.s32 $0x1C180;
	[smem:$0x7FF] =	sst s2;
	s6 =	smul.u32 $0x2800, s10  }
0x6: {  	s3 =	sadd.s32 $0x6E00, s0;
	s4 =	sadd.s32 $0x1E00, s0;
	s9 =	smul.u32 $0x50000, s10  }
0x7: {  	s5 =	sand.u32 $0x1, s5;
	s7 =	sshll.u32 s10, $0x1;
	s20 =	smul.u32 $0x2710, s10  }
0x8: {  	s22 =	sshll.u32 s10, $0x6;
	s23 =	smul.u32 $0x27100, s10;
	_ =	strace $0x80000047  }
0x9: {  	s8 =	ssub.s32 $0x2, s5;
	s7 =	sor.u32 s5, s7;
	p0 =	seq.s32 s5, $0x0  }
0xa: {  	s0 =	sadd.s32 s6, s0;
	s26 =	sshrl.u32 s8, $0x1;
	s9 =	sshrl.u32 s9, $0x2  }
0xb: {  	s11 =	smul.u32 $0x1388, s7;
	s6 =	ssub.s32 s8, s26;
	s8 =	sadd.s32 s9, s1  }
0xc: {  	s7 =	smul.u32 $0x13880, s7;
	s13 =	sadd.s32 $0x277E00, s0;
	[dreg:$0x3] =	wrdreg s8  }
0xd: {  	s12 =	sshrl.u32 s11, $0x3;
	[dreg:$0x4] =	wrdreg s13;
	s14 =	sadd.s32 $0x80, s11  }
0xe: {  	s7 =	sadd.s32 s3, s7;
	s17 =	sadd.s32 $0x1380, s11;
	s13 =	smax.u32 s6, $0x1  }
0xf: {  	s8 =	sadd.s32 s4, s12;
	[dreg:$0x6] =	wrdreg s7;
	s15 =	sshrl.u32 s14, $0x3  }
0x10: {  	s18 =	sshrl.u32 s17, $0x3;
	[dreg:$0x5] =	wrdreg s8;
	s8 =	sshll.u32 s14, $0x4  }
0x11: {  	s7 =	sadd.s32 s4, s15;
	s15 =	sadd.s32 $0x1300, s11;
	s11 =	sadd.s32 s4, s18  }
0x12: {  	[dreg:$0x7] =	wrdreg s7;
	s16 =	sadd.s32 s3, s8;
	s7 =	sshll.u32 s17, $0x4  }
0x13: {  	s19 =	sshrl.u32 s15, $0x3;
	s21 =	sshll.u32 s15, $0x4;
	s17 =	smul.u32 $0x1388, s5  }
0x14: {  	s8 =	simm.s32 $0x29FE00;
	s5 =	smul.u32 $0x13880, s5;
	[dreg:$0x8] =	wrdreg s16  }
0x15: {  	s12 =	sadd.s32 s3, s7;
	s14 =	sadd.s32 s4, s19;
	s15 =	sadd.s32 s3, s21  }
0x16: {  	s16 =	sor.u32 $0x1C05, s22;
	s8 =	simm.s32 @!p0 $0x2C7E00;
	s3 =	sadd.s32 s23, s3  }
0x17: {  	s21 =	simm.s32 $0x5;
	s22 =	simm.s32 $0x100;
	s23 =	simm.s32 $0x80  }
0x18: {  	s6 =	sadd.s32 s17, s20;
	s17 =	sadd.s32 s8, s0;
	s25 =	sadd.s32 s5, s3  }
0x19: {  	s3 =	simm.s32 $0x0;
	s24 =	sadd.s32 $0x180, s6;
	s8 =	sadd.s32 $0x1800, s25  }
0x1a: {  	s20 =	sadd.s32 $0x100, s6;
	s25 =	simm.s32 $0x1;
	s26 =	sshrl.u32 s24, $0x3  }
0x1b: {  	s24 =	simm.s32 $0x4100;
	s19 =	sadd.s32 s26, s4;
	s26 =	simm.s32 $0x2  }
.LBB2_1:
0x1c: {  	s0 =	rddreg [dreg:$0x3]  }
0x1d: {  	s5 =	rddreg [dreg:$0x4];
	s0 =	sshrl.u32 s0, $0x3  }
0x1e: {  	[spmem:s0], [sflag:s16] =	dma.local [hbm:s5], $0x2800  }
0x1f: {  	_ =	swait.ge [sflag:s21], $0x2800  }
0x20: {  	[sflag:s21] =	ssyncset.done $0x0  }
0x21: {  	[sflag:s21] =	ssyncadd.s32 $0xFFFFD800  }
0x22: {  	[bflag:$0x0] =	sbarrier.arrive $0xFFFF  }
0x23: {  	s10 =	rddreg [dreg:$0x5]  }
0x24: {  	[tilespmem:s2], [sflag:$0x1] =	stream.linear.gather [hbm4b:s10+s2], $0x80, $0x38;
	[tilespmem:$0x1C580] =	vst v63  }
0x25: {  	s18 =	rddreg [dreg:$0x6]  }
0x26: {  	[tilespmem:s22], [sflag:$0x1] =	stream.linear.gather [hbm4b:s18+s2], $0x4000, $0x38;
	[tilespmem:$0x1C580] =	vst v63  }
0x27: {  	s6 =	rddreg [dreg:$0x7]  }
0x28: {  	[tilespmem:s23], [sflag:$0x2] =	stream.linear.gather [hbm4b:s6+s2], $0x80, $0x38;
	[tilespmem:$0x1C580] =	vst v63  }
0x29: {  	s7 =	rddreg [dreg:$0x8]  }
0x2a: {  	[tilespmem:s24], [sflag:$0x2] =	stream.linear.gather [hbm4b:s7+s2], $0x4000, $0x38;
	[tilespmem:$0x1C580] =	vst v63  }
0x2b: {  	_ =	swait.ge [sflag:s25], $0x80  }
0x2c: {  	[sflag:s25] =	ssyncset.done $0x0  }
0x2d: {  	[sflag:s25] =	ssyncadd.s32 $0xFFFFFF80  }
0x2e: {  	_ =	swait.ge [sflag:s25], $0x4000  }
0x2f: {  	[sflag:s25] =	ssyncset.done $0x0  }
0x30: {  	[sflag:s25] =	ssyncadd.s32 $0xFFFFC000  }
0x31: {  	[spmem:s1] =	stream.indirect.scatter.add.f32 [tilespmem:s22], [sflag:$0x3], $0x80, s2, s23, $0xb8;
	[tilespmem:$0x1C580] =	vst v63  }
0x32: {  	_ =	swait.ge [sflag:s26], $0x80  }
0x33: {  	[sflag:s26] =	ssyncset.done $0x0  }
0x34: {  	[sflag:s26] =	ssyncadd.s32 $0xFFFFFF80  }
0x35: {  	_ =	swait.ge [sflag:s26], $0x4000  }
0x36: {  	[sflag:s26] =	ssyncset.done $0x0  }
0x37: {  	[sflag:s26] =	ssyncadd.s32 $0xFFFFC000  }
0x38: {  	[spmem:s1] =	stream.indirect.scatter.add.f32 [tilespmem:s24], [sflag:$0x4], $0x80, s23, s23, $0xb8;
	[tilespmem:$0x1C580] =	vst v63  }
0x39: {  	_ =	swait.ge [sflag:s28], $0x4000  }
0x3a: {  	s9 =	sshrl.u32 s20, $0x3;
	[sflag:s28] =	ssyncset.done $0x0  }
0x3b: {  	s5 =	sadd.s32 s4, s9;
	[sflag:s28] =	ssyncadd.s32 $0xFFFFC000  }
0x3c: {  	[tilespmem:s2], [sflag:$0x1] =	stream.linear.gather [hbm4b:s5+s2], $0x80, $0x38;
	[tilespmem:$0x1C580] =	vst v63  }
0x3d: {  	s10 =	sadd.s32 $0xFFFFF800, s8  }
0x3e: {  	[tilespmem:s22], [sflag:$0x1] =	stream.linear.gather [hbm4b:s10+s2], $0x4000, $0x38;
	[tilespmem:$0x1C580] =	vst v63  }
0x3f: {  	_ =	swait.ge [sflag:s25], $0x80  }
0x40: {  	[sflag:s25] =	ssyncset.done $0x0  }
0x41: {  	[sflag:s25] =	ssyncadd.s32 $0xFFFFFF80  }
0x42: {  	_ =	swait.ge [sflag:s25], $0x4000  }
0x43: {  	[sflag:s25] =	ssyncset.done $0x0  }
0x44: {  	[sflag:s25] =	ssyncadd.s32 $0xFFFFC000  }
0x45: {  	[spmem:s1] =	stream.indirect.scatter.add.f32 [tilespmem:s22], [sflag:$0x3], $0x80, s2, s23, $0xb8;
	[tilespmem:$0x1C580] =	vst v63  }
0x46: {  	_ =	swait.ge [sflag:s29], $0x4000  }
0x47: {  	[sflag:s29] =	ssyncset.done $0x0  }
0x48: {  	s18 =	sadd.s32 $0x0, s19;
	s6 =	sadd.s32 $0x1000, s8;
	[sflag:s29] =	ssyncadd.s32 $0xFFFFC000  }
0x49: {  	[tilespmem:s23], [sflag:$0x2] =	stream.linear.gather [hbm4b:s18+s2], $0x80, $0x38;
	[tilespmem:$0x1C580] =	vst v63  }
0x4a: {  	s7 =	sadd.s32 $0x100, s20;
	s5 =	simm.s32 $0x20;
	s18 =	smov.u32 s8  }
.LBB2_2:
0x4b: {  	[tilespmem:s24], [sflag:$0x2] =	stream.linear.gather [hbm4b:s18+s2], $0x4000, $0x38;
	[tilespmem:$0x1C580] =	vst v63  }
0x4c: {  	s9 =	smov.u32 s5;
	s18 =	smov.u32 s6  }
0x4d: {  	p0 =	sne.s32 s5, $0x220;
	s5 =	sadd.s32 $0x20, s5;
	_ =	swait.ge [sflag:s26], $0x80  }
0x4e: {  	[sflag:s26] =	ssyncset.done $0x0  }
0x4f: {  	[sflag:s26] =	ssyncadd.s32 $0xFFFFFF80  }
0x50: {  	_ =	swait.ge [sflag:s26], $0x4000  }
0x51: {  	[sflag:s26] =	ssyncset.done $0x0  }
0x52: {  	[sflag:s26] =	ssyncadd.s32 $0xFFFFC000  }
0x53: {  	[spmem:s1] =	stream.indirect.scatter.add.f32 [tilespmem:s24], [sflag:$0x4], $0x80, s23, s23, $0xb8;
	[tilespmem:$0x1C580] =	vst v63  }
0x54: {  	_ =	swait.ge [sflag:s28], $0x4000  }
0x55: {  	s10 =	sshrl.u32 s7, $0x3;
	[sflag:s28] =	ssyncset.done $0x0  }
0x56: {  	s10 =	sadd.s32 s4, s10;
	[sflag:s28] =	ssyncadd.s32 $0xFFFFC000  }
0x57: {  	[tilespmem:s2], [sflag:$0x1] =	stream.linear.gather [hbm4b:s10+s2], $0x80, $0x38;
	[tilespmem:$0x1C580] =	vst v63  }
0x58: {  	s10 =	sadd.s32 $0xFFFFF800, s6  }
0x59: {  	[tilespmem:s22], [sflag:$0x1] =	stream.linear.gather [hbm4b:s10+s2], $0x4000, $0x38;
	[tilespmem:$0x1C580] =	vst v63  }
0x5a: {  	_ =	swait.ge [sflag:s25], $0x80  }
0x5b: {  	[sflag:s25] =	ssyncset.done $0x0  }
0x5c: {  	[sflag:s25] =	ssyncadd.s32 $0xFFFFFF80  }
0x5d: {  	_ =	swait.ge [sflag:s25], $0x4000  }
0x5e: {  	[sflag:s25] =	ssyncset.done $0x0  }
0x5f: {  	[sflag:s25] =	ssyncadd.s32 $0xFFFFC000  }
0x60: {  	[spmem:s1] =	stream.indirect.scatter.add.f32 [tilespmem:s22], [sflag:$0x3], $0x80, s2, s23, $0xb8;
	[tilespmem:$0x1C580] =	vst v63  }
.Ltmp0:
0x61: {  	_ =	swait.ge [sflag:s29], $0x4000;
	(pc) =	sbr.rel @p0 .LBB2_2-.Ltmp0, $4  }
0x62: {  	[sflag:s29] =	ssyncset.done $0x0  }
0x63: {  	s9 =	sadd.s32 s9, s19;
	[sflag:s29] =	ssyncadd.s32 $0xFFFFC000  }
0x64: {  	[tilespmem:s23], [sflag:$0x2] =	stream.linear.gather [hbm4b:s9+s2], $0x80, $0x38;
	[tilespmem:$0x1C580] =	vst v63  }
0x65: {  	s7 =	sadd.s32 $0x100, s7;
	s6 =	sadd.s32 $0x1000, s6  }
0x66: {  	[tilespmem:s24], [sflag:$0x2] =	stream.linear.gather [hbm4b:s18+s2], $0x4000, $0x38;
	[tilespmem:$0x1C580] =	vst v63  }
0x67: {  	_ =	swait.ge [sflag:s26], $0x80  }
0x68: {  	[sflag:s26] =	ssyncset.done $0x0  }
0x69: {  	[sflag:s26] =	ssyncadd.s32 $0xFFFFFF80  }
0x6a: {  	_ =	swait.ge [sflag:s26], $0x4000  }
0x6b: {  	[sflag:s26] =	ssyncset.done $0x0  }
0x6c: {  	[sflag:s26] =	ssyncadd.s32 $0xFFFFC000  }
0x6d: {  	[spmem:s1] =	stream.indirect.scatter.add.f32 [tilespmem:s24], [sflag:$0x4], $0x80, s23, s23, $0xb8;
	[tilespmem:$0x1C580] =	vst v63  }
0x6e: {  	_ =	swait.ge [sflag:s28], $0x4000  }
0x6f: {  	[sflag:s28] =	ssyncset.done $0x0  }
0x70: {  	[sflag:s28] =	ssyncadd.s32 $0xFFFFC000  }
0x71: {  	[tilespmem:s2], [sflag:$0x1] =	stream.linear.gather [hbm4b:s14+s2], $0x80, $0x38;
	[tilespmem:$0x1C580] =	vst v63  }
0x72: {  	_ = 	snop  }
0x73: {  	[tilespmem:s22], [sflag:$0x1] =	stream.linear.gather [hbm4b:s15+s2], $0x4000, $0x38;
	[tilespmem:$0x1C580] =	vst v63  }
0x74: {  	_ =	swait.ge [sflag:s25], $0x80  }
0x75: {  	[sflag:s25] =	ssyncset.done $0x0  }
0x76: {  	[sflag:s25] =	ssyncadd.s32 $0xFFFFFF80  }
0x77: {  	_ =	swait.ge [sflag:s25], $0x4000  }
0x78: {  	[sflag:s25] =	ssyncset.done $0x0  }
0x79: {  	[sflag:s25] =	ssyncadd.s32 $0xFFFFC000  }
0x7a: {  	[spmem:s1] =	stream.indirect.scatter.add.f32 [tilespmem:s22], [sflag:$0x3], $0x80, s2, s23, $0xb8;
	[tilespmem:$0x1C580] =	vst v63  }
0x7b: {  	_ =	swait.ge [sflag:s29], $0x4000  }
0x7c: {  	[sflag:s29] =	ssyncset.done $0x0  }
0x7d: {  	[sflag:s29] =	ssyncadd.s32 $0xFFFFC000  }
0x7e: {  	_ =	swait.ge [sflag:s28], $0x4000  }
0x7f: {  	[sflag:s28] =	ssyncset.done $0x0  }
0x80: {  	[sflag:s28] =	ssyncadd.s32 $0xFFFFC000  }
0x81: {  	[tilespmem:s30], [sflag:$0x5] =	stream.linear.gather [hbm4b:s11+s2], $0x8, $0x38;
	[tilespmem:$0x1C580] =	vst v63  }
0x82: {  	_ =	swait.ge [sflag:s21], $0x8  }
0x83: {  	[sflag:s21] =	ssyncset.done $0x0  }
0x84: {  	[sflag:s21] =	ssyncadd.s32 $0xFFFFFFF8  }
0x85: {  	[tilespmem:s31], [sflag:$0x5] =	stream.linear.gather [hbm4b:s12+s2], $0x400, $0x38;
	[tilespmem:$0x1C580] =	vst v63  }
0x86: {  	_ =	swait.ge [sflag:s21], $0x400  }
0x87: {  	[sflag:s21] =	ssyncset.done $0x0  }
0x88: {  	s5 =	simm.s32 $0x8;
	[sflag:s21] =	ssyncadd.s32 $0xFFFFFC00  }
0x89: {  	[spmem:s1] =	stream.indirect.scatter.add.f32 [tilespmem:s31], [sflag:$0x5], $0x80, s30, s5, $0xb8;
	[tilespmem:$0x1C580] =	vst v63  }
0x8a: {  	_ =	swait.ge [sflag:s21], $0x400  }
0x8b: {  	s3 =	sadd.s32 $0x1, s3;
	[sflag:s21] =	ssyncset.done $0x0  }
0x8c: {  	p0 =	sne.s32 s3, s13;
	[sflag:s21] =	ssyncadd.s32 $0xFFFFFC00  }
.Ltmp1:
0x8d: {  	[bflag:$0x0] =	sbarrier.arrive $0xFFFF;
	(pc) =	sbr.rel @p0 .LBB2_1-.Ltmp1, $4  }
0x8e: {  	[hbm:s17], [sflag:s16] =	dma.local [spmem:s0], $0x2800  }
0x8f: {  	_ =	swait.ge [sflag:s21], $0x2800  }
0x90: {  	[sflag:s21] =	ssyncset.done $0x0  }
0x91: {  	[sflag:s21] =	ssyncadd.s32 $0xFFFFD800  }
0x92: {  	_ =	sfence.sel $0x180000  }
0x93: {  	[bflag:$0x0] =	sbarrier.arrive $0xFFFF  }
0x94: {  	_ =	strace $0x90000047  }
0x95: {  	s0 =	stileid.u32;
	[bflag:$0x2] =	sbarrier.arrive $0xFFFF  }
0x96: {  	p0 =	sne.s32 s0, $0x0;
	s0 =	rddreg [dreg:$0x2]  }
0x97: {  	s0 =	sadd.s32 @!p0 $0x100000, s0  }
0x98: {  	[sflag:s0] =	ssyncadd.tile.s32 @!p0 $0x1;
	_ =	shalt  }
.Lfunc_end2:
_tile_overlayer_lowered:
.L_overlay_start_2:
0x99: {  	(tag) =	ssettag $0x2  }
0x9a: {  	s0 =	rddreg [dreg:$0x0];
	s2 =	stileid.u32  }
0x9b: {  	s1 =	rddreg [dreg:$0x1];
	p0 =	sne.s32 s2, $0x0  }
0x9c: {  	s3 =	rddreg [dreg:$0x2];
	[bflag:$0x3] =	sbarrier.arrive $0xFFFF;
	s2 =	simm.s32 @!p0 $0x1C05  }
0x9d: {  	[timem:s3], [sflag:s2] =	dma.local @!p0 [hbm:s0], s1  }
0x9e: {  	s0 =	simm.s32 @!p0 $0x5  }
0x9f: {  	_ =	swait.ge @!p0 [sflag:s0], s1  }
0xa0: {  	s1 =	ssub.s32 @!p0 $0x0, s1;
	[sflag:s0] =	ssyncset.done @!p0 $0x0  }
0xa1: {  	[sflag:s0] =	ssyncadd.s32 @!p0 s1  }
0xa2: {  	[bflag:$0x3] =	sbarrier.arrive $0xFFFF  }
0xa3: {  	_ =	shalt  }

</sc_bundles>
